<compile_context>
chip_gen: v7x
topology: tpu7x:2x2x1
jax: 0.10.2.dev20260603
libtpu: 0.0.44.dev20260713+nightly
codegen_flags: <defaults>
</compile_context>

<pallas_src>
import functools

import jax
import jax.numpy as jnp
from jax import lax
from jax.experimental import pallas as pl
from jax.experimental.pallas import tpu as pltpu
from jax.experimental.pallas import tpu_sc as plsc

_NUM_WORKERS = 32


def _tc_body(x_ref, wt_ref, b_ref, g_ref, ones_ref,
             z0_ref, z1_ref, z2_ref, z3_ref, s_ref, m_ref, u_ref, p_ref):
    x = x_ref[...]
    dot5 = jnp.dot(x, wt_ref[...], preferred_element_type=jnp.float32)
    logits = dot5[:, 0:4]
    s = dot5[:, 4:5]
    z = (logits + b_ref[...]) + g_ref[...]
    z0_ref[...] = z[:, 0:1]
    z1_ref[...] = z[:, 1:2]
    z2_ref[...] = z[:, 2:3]
    z3_ref[...] = z[:, 3:4]

    xb = x.astype(jnp.bfloat16)
    m_ref[...] = jnp.max(xb, axis=1, keepdims=True).astype(jnp.float32)

    ones_col = ones_ref[...]
    one_b = jnp.bfloat16(1.0)
    zero_b = jnp.bfloat16(0.0)

    ind_u = jnp.where(xb != zero_b, one_b, zero_b)
    u_ref[...] = jnp.dot(ind_u, ones_col, preferred_element_type=jnp.float32)

    xr = pltpu.roll(xb, 1, 1)
    ind_p = jnp.where(xb != xr, one_b, zero_b)
    pat_raw = jnp.dot(ind_p, ones_col, preferred_element_type=jnp.float32)
    wrap = jnp.where(xb[:, 0:1].astype(jnp.float32) != xb[:, -1:].astype(jnp.float32),
                     1.0, 0.0)
    p_ref[...] = pat_raw - wrap
    s_ref[...] = s


def _make_sc_combine(n):
    rpw = n // _NUM_WORKERS
    steps = rpw // 16
    mesh = plsc.VectorSubcoreMesh(core_axis_name="c", subcore_axis_name="s")

    @functools.partial(
        pl.kernel,
        out_type=jax.ShapeDtypeStruct((n,), jnp.float32),
        mesh=mesh,
        scratch_types=[
            pltpu.VMEM((rpw,), jnp.float32),
            pltpu.VMEM((rpw,), jnp.float32),
            pltpu.VMEM((rpw,), jnp.float32),
            pltpu.VMEM((rpw,), jnp.float32),
            pltpu.VMEM((rpw,), jnp.float32),
            pltpu.VMEM((rpw,), jnp.float32),
            pltpu.VMEM((rpw,), jnp.float32),
            pltpu.VMEM((rpw,), jnp.float32),
            pltpu.VMEM((rpw,), jnp.float32),
        ],
    )
    def combine(z0_hbm, z1_hbm, z2_hbm, z3_hbm, s_hbm, m_hbm, u_hbm, p_hbm,
                out_hbm,
                z0_v, z1_v, z2_v, z3_v, s_v, m_v, u_v, p_v, o_v):
        wid = lax.axis_index("s") * 2 + lax.axis_index("c")
        base = wid * rpw
        pltpu.sync_copy(z0_hbm.at[pl.ds(base, rpw)], z0_v)
        pltpu.sync_copy(z1_hbm.at[pl.ds(base, rpw)], z1_v)
        pltpu.sync_copy(z2_hbm.at[pl.ds(base, rpw)], z2_v)
        pltpu.sync_copy(z3_hbm.at[pl.ds(base, rpw)], z3_v)
        pltpu.sync_copy(s_hbm.at[pl.ds(base, rpw)], s_v)
        pltpu.sync_copy(m_hbm.at[pl.ds(base, rpw)], m_v)
        pltpu.sync_copy(u_hbm.at[pl.ds(base, rpw)], u_v)
        pltpu.sync_copy(p_hbm.at[pl.ds(base, rpw)], p_v)
        for i in range(steps):
            sl16 = pl.ds(i * 16, 16)
            z0 = z0_v[sl16]
            z1 = z1_v[sl16]
            z2 = z2_v[sl16]
            z3 = z3_v[sl16]
            sl = s_v[sl16]
            fl = m_v[sl16] / (sl + 1e-6)
            ul = u_v[sl16]
            pt = p_v[sl16]
            best, out = z0, sl
            for ze, ve in ((z1, fl), (z2, ul), (z3, pt)):
                take = ze > best
                best = jnp.where(take, ze, best)
                out = jnp.where(take, ve, out)
            o_v[sl16] = out
        pltpu.sync_copy(o_v, out_hbm.at[pl.ds(base, rpw)])

    return combine


def kernel(histograms, W, b, gumbel):
    n, d = histograms.shape
    e = W.shape[0]
    bm = min(1024, n)
    wt_aug = jnp.concatenate([W.T, jnp.ones((d, 1), jnp.float32)], axis=1)
    ones_col = jnp.ones((d, 1), jnp.bfloat16)
    col = jax.ShapeDtypeStruct((n, 1), jnp.float32)
    cols = pl.pallas_call(
        _tc_body,
        grid=(n // bm,),
        in_specs=[
            pl.BlockSpec((bm, d), lambda i: (i, 0)),
            pl.BlockSpec((d, e + 1), lambda i: (0, 0)),
            pl.BlockSpec((1, e), lambda i: (0, 0)),
            pl.BlockSpec((bm, e), lambda i: (i, 0)),
            pl.BlockSpec((d, 1), lambda i: (0, 0)),
        ],
        out_specs=[pl.BlockSpec((bm, 1), lambda i: (i, 0))] * 8,
        out_shape=[col] * 8,
    )(histograms, wt_aug, b.reshape(1, e), gumbel, ones_col)
    combine = _make_sc_combine(n)
    return combine(*(c.reshape(n) for c in cols))

# --- scband reference (transcript-rebuilt; emitter-appended) ---
"""Pipeline reference for scband-sparse-expert-counting-network-66675072303269 (READ-ONLY COPY).

The authoritative reference and input builder live on the scoring server;
editing this copy changes nothing except your own understanding.
"""

import jax, jax.numpy as jnp
import numpy as np

N, D, E = 16384, 2048, 4

def setup_inputs(seed: int = 0) -> dict:
    key = jax.random.key(seed)
    k1, k2, k3, k4 = jax.random.split(key, 4)
    histograms = jax.random.uniform(k1, (N, D), dtype=jnp.float32)
    lim = 1.0 / np.sqrt(D)
    W = jax.random.uniform(k2, (E, D), minval=-lim, maxval=lim, dtype=jnp.float32)
    b = jax.random.uniform(k3, (E,), minval=-lim, maxval=lim, dtype=jnp.float32)
    u = jax.random.uniform(k4, (N, E), minval=1e-9, maxval=1.0, dtype=jnp.float32)
    gumbel = -jnp.log(-jnp.log(u))
    return {"histograms": histograms, "W": W, "b": b, "gumbel": gumbel}

def reference(histograms, W, b, gumbel):
    x = histograms
    logits = x @ W.T + b
    # gumbel_softmax(hard=True, tau=1.0) with precomputed gumbel noise
    y_soft = jax.nn.softmax((logits + gumbel) / 1.0, axis=-1)
    idx = jnp.argmax(y_soft, axis=-1)
    y_hard = jax.nn.one_hot(idx, y_soft.shape[-1], dtype=y_soft.dtype)
    # straight-through; forward value equals y_hard
    routes = y_hard + y_soft - jax.lax.stop_gradient(y_soft)
    # expert computations (row-wise, computed densely then masked-selected,
    # mathematically identical to torch's masked dispatch)
    e_hist = x.sum(-1, keepdims=True)
    e_freq = x.max(-1, keepdims=True) / (x.sum(-1, keepdims=True) + 1e-06)
    e_uniq = (x != 0).astype(x.dtype).sum(-1, keepdims=True)
    e_pat = (x[:, 1:] != x[:, :-1]).astype(x.dtype).sum(-1, keepdims=True)
    experts = [e_hist, e_freq, e_uniq, e_pat]
    out = jnp.zeros((x.shape[0], 1), dtype=x.dtype)
    for i, e in enumerate(experts):
        mask = routes[:, i:i + 1] > 0.5
        out = jnp.where(mask, e, out)
    return out.squeeze(-1)

if __name__ == "__main__":
    import jax
    _d = setup_inputs()
    print(jax.jit(kernel)(*tuple(_d.values())))

</pallas_src>

<mosaic_0001>
#map = affine_map<(d0, d1) -> (0)>
module attributes {stable_mosaic.version = 14 : i64} {
  func.func @combine(%arg0: i32, %arg1: i32, %arg2: memref<16384xf32, #tpu.memory_space<hbm>>, %arg3: memref<16384xf32, #tpu.memory_space<hbm>>, %arg4: memref<16384xf32, #tpu.memory_space<hbm>>, %arg5: memref<16384xf32, #tpu.memory_space<hbm>>, %arg6: memref<16384xf32, #tpu.memory_space<hbm>>, %arg7: memref<16384xf32, #tpu.memory_space<hbm>>, %arg8: memref<16384xf32, #tpu.memory_space<hbm>>, %arg9: memref<16384xf32, #tpu.memory_space<hbm>>, %arg10: memref<16384xf32, #tpu.memory_space<hbm>>, %arg11: memref<512xf32, #tpu.memory_space<vmem>>, %arg12: memref<512xf32, #tpu.memory_space<vmem>>, %arg13: memref<512xf32, #tpu.memory_space<vmem>>, %arg14: memref<512xf32, #tpu.memory_space<vmem>>, %arg15: memref<512xf32, #tpu.memory_space<vmem>>, %arg16: memref<512xf32, #tpu.memory_space<vmem>>, %arg17: memref<512xf32, #tpu.memory_space<vmem>>, %arg18: memref<512xf32, #tpu.memory_space<vmem>>, %arg19: memref<512xf32, #tpu.memory_space<vmem>>) attributes {dimension_semantics = [#tpu.dimension_semantics<core_parallel>, #tpu.dimension_semantics<subcore_parallel>], iteration_bounds = array<i64: 2, 16>, scalar_prefetch = 0 : i64, scratch_operands = 9 : i64, tpu.core_type = #tpu.core_type<sc_vector_subcore>, window_params = [{transform_indices = #map}, {transform_indices = #map}, {transform_indices = #map}, {transform_indices = #map}, {transform_indices = #map}, {transform_indices = #map}, {transform_indices = #map}, {transform_indices = #map}, {transform_indices = #map}]} {
    %mul3A = arith.constant 2 : i32
    %mul3A_0 = arith.muli %arg1, %mul3A : i32
    %add3A = arith.addi %mul3A_0, %arg0 : i32
    %mul3A_1 = arith.constant 512 : i32
    %mul3A_2 = arith.muli %add3A, %mul3A_1 : i32
    "tpu.region"() ({
      %run_scoped3A = tpu.sem_alloc : memref<!tpu.dma_semaphore, #tpu.memory_space<semaphore_mem>>
      %dma_start3A = tpu.memref_slice %arg2[%mul3A_2] : memref<16384xf32, #tpu.memory_space<hbm>> -> memref<512xf32, #tpu.memory_space<hbm>>
      %dma_start3A_1310 = tpu.memref_slice %arg2[%mul3A_2] : memref<16384xf32, #tpu.memory_space<hbm>> -> memref<512xf32, #tpu.memory_space<hbm>>
      tpu.enqueue_dma source(%dma_start3A_1310 : memref<512xf32, #tpu.memory_space<hbm>>) target(%arg11 : memref<512xf32, #tpu.memory_space<vmem>>) target_semaphore(%run_scoped3A : memref<!tpu.dma_semaphore, #tpu.memory_space<semaphore_mem>>)
      %dma_wait3A = tpu.memref_slice %arg2[%mul3A_2] : memref<16384xf32, #tpu.memory_space<hbm>> -> memref<512xf32, #tpu.memory_space<hbm>>
      %dma_wait3A_1311 = tpu.memref_slice %arg2[%mul3A_2] : memref<16384xf32, #tpu.memory_space<hbm>> -> memref<512xf32, #tpu.memory_space<hbm>>
      tpu.wait_dma2 semaphore(%run_scoped3A : memref<!tpu.dma_semaphore, #tpu.memory_space<semaphore_mem>>) src(%dma_wait3A_1311 : memref<512xf32, #tpu.memory_space<hbm>>) dst(%arg11 : memref<512xf32, #tpu.memory_space<vmem>>)
      tpu.yield
    }) : () -> ()
    "tpu.region"() ({
      %run_scoped3A = tpu.sem_alloc : memref<!tpu.dma_semaphore, #tpu.memory_space<semaphore_mem>>
      %dma_start3A = tpu.memref_slice %arg3[%mul3A_2] : memref<16384xf32, #tpu.memory_space<hbm>> -> memref<512xf32, #tpu.memory_space<hbm>>
      %dma_start3A_1310 = tpu.memref_slice %arg3[%mul3A_2] : memref<16384xf32, #tpu.memory_space<hbm>> -> memref<512xf32, #tpu.memory_space<hbm>>
      tpu.enqueue_dma source(%dma_start3A_1310 : memref<512xf32, #tpu.memory_space<hbm>>) target(%arg12 : memref<512xf32, #tpu.memory_space<vmem>>) target_semaphore(%run_scoped3A : memref<!tpu.dma_semaphore, #tpu.memory_space<semaphore_mem>>)
      %dma_wait3A = tpu.memref_slice %arg3[%mul3A_2] : memref<16384xf32, #tpu.memory_space<hbm>> -> memref<512xf32, #tpu.memory_space<hbm>>
      %dma_wait3A_1311 = tpu.memref_slice %arg3[%mul3A_2] : memref<16384xf32, #tpu.memory_space<hbm>> -> memref<512xf32, #tpu.memory_space<hbm>>
      tpu.wait_dma2 semaphore(%run_scoped3A : memref<!tpu.dma_semaphore, #tpu.memory_space<semaphore_mem>>) src(%dma_wait3A_1311 : memref<512xf32, #tpu.memory_space<hbm>>) dst(%arg12 : memref<512xf32, #tpu.memory_space<vmem>>)
      tpu.yield
    }) : () -> ()
    "tpu.region"() ({
      %run_scoped3A = tpu.sem_alloc : memref<!tpu.dma_semaphore, #tpu.memory_space<semaphore_mem>>
      %dma_start3A = tpu.memref_slice %arg4[%mul3A_2] : memref<16384xf32, #tpu.memory_space<hbm>> -> memref<512xf32, #tpu.memory_space<hbm>>
      %dma_start3A_1310 = tpu.memref_slice %arg4[%mul3A_2] : memref<16384xf32, #tpu.memory_space<hbm>> -> memref<512xf32, #tpu.memory_space<hbm>>
      tpu.enqueue_dma source(%dma_start3A_1310 : memref<512xf32, #tpu.memory_space<hbm>>) target(%arg13 : memref<512xf32, #tpu.memory_space<vmem>>) target_semaphore(%run_scoped3A : memref<!tpu.dma_semaphore, #tpu.memory_space<semaphore_mem>>)
      %dma_wait3A = tpu.memref_slice %arg4[%mul3A_2] : memref<16384xf32, #tpu.memory_space<hbm>> -> memref<512xf32, #tpu.memory_space<hbm>>
      %dma_wait3A_1311 = tpu.memref_slice %arg4[%mul3A_2] : memref<16384xf32, #tpu.memory_space<hbm>> -> memref<512xf32, #tpu.memory_space<hbm>>
      tpu.wait_dma2 semaphore(%run_scoped3A : memref<!tpu.dma_semaphore, #tpu.memory_space<semaphore_mem>>) src(%dma_wait3A_1311 : memref<512xf32, #tpu.memory_space<hbm>>) dst(%arg13 : memref<512xf32, #tpu.memory_space<vmem>>)
      tpu.yield
    }) : () -> ()
    "tpu.region"() ({
      %run_scoped3A = tpu.sem_alloc : memref<!tpu.dma_semaphore, #tpu.memory_space<semaphore_mem>>
      %dma_start3A = tpu.memref_slice %arg5[%mul3A_2] : memref<16384xf32, #tpu.memory_space<hbm>> -> memref<512xf32, #tpu.memory_space<hbm>>
      %dma_start3A_1310 = tpu.memref_slice %arg5[%mul3A_2] : memref<16384xf32, #tpu.memory_space<hbm>> -> memref<512xf32, #tpu.memory_space<hbm>>
      tpu.enqueue_dma source(%dma_start3A_1310 : memref<512xf32, #tpu.memory_space<hbm>>) target(%arg14 : memref<512xf32, #tpu.memory_space<vmem>>) target_semaphore(%run_scoped3A : memref<!tpu.dma_semaphore, #tpu.memory_space<semaphore_mem>>)
      %dma_wait3A = tpu.memref_slice %arg5[%mul3A_2] : memref<16384xf32, #tpu.memory_space<hbm>> -> memref<512xf32, #tpu.memory_space<hbm>>
      %dma_wait3A_1311 = tpu.memref_slice %arg5[%mul3A_2] : memref<16384xf32, #tpu.memory_space<hbm>> -> memref<512xf32, #tpu.memory_space<hbm>>
      tpu.wait_dma2 semaphore(%run_scoped3A : memref<!tpu.dma_semaphore, #tpu.memory_space<semaphore_mem>>) src(%dma_wait3A_1311 : memref<512xf32, #tpu.memory_space<hbm>>) dst(%arg14 : memref<512xf32, #tpu.memory_space<vmem>>)
      tpu.yield
    }) : () -> ()
    "tpu.region"() ({
      %run_scoped3A = tpu.sem_alloc : memref<!tpu.dma_semaphore, #tpu.memory_space<semaphore_mem>>
      %dma_start3A = tpu.memref_slice %arg6[%mul3A_2] : memref<16384xf32, #tpu.memory_space<hbm>> -> memref<512xf32, #tpu.memory_space<hbm>>
      %dma_start3A_1310 = tpu.memref_slice %arg6[%mul3A_2] : memref<16384xf32, #tpu.memory_space<hbm>> -> memref<512xf32, #tpu.memory_space<hbm>>
      tpu.enqueue_dma source(%dma_start3A_1310 : memref<512xf32, #tpu.memory_space<hbm>>) target(%arg15 : memref<512xf32, #tpu.memory_space<vmem>>) target_semaphore(%run_scoped3A : memref<!tpu.dma_semaphore, #tpu.memory_space<semaphore_mem>>)
      %dma_wait3A = tpu.memref_slice %arg6[%mul3A_2] : memref<16384xf32, #tpu.memory_space<hbm>> -> memref<512xf32, #tpu.memory_space<hbm>>
      %dma_wait3A_1311 = tpu.memref_slice %arg6[%mul3A_2] : memref<16384xf32, #tpu.memory_space<hbm>> -> memref<512xf32, #tpu.memory_space<hbm>>
      tpu.wait_dma2 semaphore(%run_scoped3A : memref<!tpu.dma_semaphore, #tpu.memory_space<semaphore_mem>>) src(%dma_wait3A_1311 : memref<512xf32, #tpu.memory_space<hbm>>) dst(%arg15 : memref<512xf32, #tpu.memory_space<vmem>>)
      tpu.yield
    }) : () -> ()
    "tpu.region"() ({
      %run_scoped3A = tpu.sem_alloc : memref<!tpu.dma_semaphore, #tpu.memory_space<semaphore_mem>>
      %dma_start3A = tpu.memref_slice %arg7[%mul3A_2] : memref<16384xf32, #tpu.memory_space<hbm>> -> memref<512xf32, #tpu.memory_space<hbm>>
      %dma_start3A_1310 = tpu.memref_slice %arg7[%mul3A_2] : memref<16384xf32, #tpu.memory_space<hbm>> -> memref<512xf32, #tpu.memory_space<hbm>>
      tpu.enqueue_dma source(%dma_start3A_1310 : memref<512xf32, #tpu.memory_space<hbm>>) target(%arg16 : memref<512xf32, #tpu.memory_space<vmem>>) target_semaphore(%run_scoped3A : memref<!tpu.dma_semaphore, #tpu.memory_space<semaphore_mem>>)
      %dma_wait3A = tpu.memref_slice %arg7[%mul3A_2] : memref<16384xf32, #tpu.memory_space<hbm>> -> memref<512xf32, #tpu.memory_space<hbm>>
      %dma_wait3A_1311 = tpu.memref_slice %arg7[%mul3A_2] : memref<16384xf32, #tpu.memory_space<hbm>> -> memref<512xf32, #tpu.memory_space<hbm>>
      tpu.wait_dma2 semaphore(%run_scoped3A : memref<!tpu.dma_semaphore, #tpu.memory_space<semaphore_mem>>) src(%dma_wait3A_1311 : memref<512xf32, #tpu.memory_space<hbm>>) dst(%arg16 : memref<512xf32, #tpu.memory_space<vmem>>)
      tpu.yield
    }) : () -> ()
    "tpu.region"() ({
      %run_scoped3A = tpu.sem_alloc : memref<!tpu.dma_semaphore, #tpu.memory_space<semaphore_mem>>
      %dma_start3A = tpu.memref_slice %arg8[%mul3A_2] : memref<16384xf32, #tpu.memory_space<hbm>> -> memref<512xf32, #tpu.memory_space<hbm>>
      %dma_start3A_1310 = tpu.memref_slice %arg8[%mul3A_2] : memref<16384xf32, #tpu.memory_space<hbm>> -> memref<512xf32, #tpu.memory_space<hbm>>
      tpu.enqueue_dma source(%dma_start3A_1310 : memref<512xf32, #tpu.memory_space<hbm>>) target(%arg17 : memref<512xf32, #tpu.memory_space<vmem>>) target_semaphore(%run_scoped3A : memref<!tpu.dma_semaphore, #tpu.memory_space<semaphore_mem>>)
      %dma_wait3A = tpu.memref_slice %arg8[%mul3A_2] : memref<16384xf32, #tpu.memory_space<hbm>> -> memref<512xf32, #tpu.memory_space<hbm>>
      %dma_wait3A_1311 = tpu.memref_slice %arg8[%mul3A_2] : memref<16384xf32, #tpu.memory_space<hbm>> -> memref<512xf32, #tpu.memory_space<hbm>>
      tpu.wait_dma2 semaphore(%run_scoped3A : memref<!tpu.dma_semaphore, #tpu.memory_space<semaphore_mem>>) src(%dma_wait3A_1311 : memref<512xf32, #tpu.memory_space<hbm>>) dst(%arg17 : memref<512xf32, #tpu.memory_space<vmem>>)
      tpu.yield
    }) : () -> ()
    "tpu.region"() ({
      %run_scoped3A = tpu.sem_alloc : memref<!tpu.dma_semaphore, #tpu.memory_space<semaphore_mem>>
      %dma_start3A = tpu.memref_slice %arg9[%mul3A_2] : memref<16384xf32, #tpu.memory_space<hbm>> -> memref<512xf32, #tpu.memory_space<hbm>>
      %dma_start3A_1310 = tpu.memref_slice %arg9[%mul3A_2] : memref<16384xf32, #tpu.memory_space<hbm>> -> memref<512xf32, #tpu.memory_space<hbm>>
      tpu.enqueue_dma source(%dma_start3A_1310 : memref<512xf32, #tpu.memory_space<hbm>>) target(%arg18 : memref<512xf32, #tpu.memory_space<vmem>>) target_semaphore(%run_scoped3A : memref<!tpu.dma_semaphore, #tpu.memory_space<semaphore_mem>>)
      %dma_wait3A = tpu.memref_slice %arg9[%mul3A_2] : memref<16384xf32, #tpu.memory_space<hbm>> -> memref<512xf32, #tpu.memory_space<hbm>>
      %dma_wait3A_1311 = tpu.memref_slice %arg9[%mul3A_2] : memref<16384xf32, #tpu.memory_space<hbm>> -> memref<512xf32, #tpu.memory_space<hbm>>
      tpu.wait_dma2 semaphore(%run_scoped3A : memref<!tpu.dma_semaphore, #tpu.memory_space<semaphore_mem>>) src(%dma_wait3A_1311 : memref<512xf32, #tpu.memory_space<hbm>>) dst(%arg18 : memref<512xf32, #tpu.memory_space<vmem>>)
      tpu.yield
    }) : () -> ()
    %get3A = arith.constant 0 : index
    %get3A_3 = tpu.vector_load %arg11[%get3A] {strides = array<i32>} : memref<512xf32, #tpu.memory_space<vmem>>, vector<16xf32>,
    %get3A_4 = vector.shape_cast %get3A_3 : vector<16xf32> to vector<16xf32>
    %get3A_5 = arith.constant 0 : index
    %get3A_6 = tpu.vector_load %arg12[%get3A_5] {strides = array<i32>} : memref<512xf32, #tpu.memory_space<vmem>>, vector<16xf32>,
    %get3A_7 = vector.shape_cast %get3A_6 : vector<16xf32> to vector<16xf32>
    %get3A_8 = arith.constant 0 : index
    %get3A_9 = tpu.vector_load %arg13[%get3A_8] {strides = array<i32>} : memref<512xf32, #tpu.memory_space<vmem>>, vector<16xf32>,
    %get3A_10 = vector.shape_cast %get3A_9 : vector<16xf32> to vector<16xf32>
    %get3A_11 = arith.constant 0 : index
    %get3A_12 = tpu.vector_load %arg14[%get3A_11] {strides = array<i32>} : memref<512xf32, #tpu.memory_space<vmem>>, vector<16xf32>,
    %get3A_13 = vector.shape_cast %get3A_12 : vector<16xf32> to vector<16xf32>
    %get3A_14 = arith.constant 0 : index
    %get3A_15 = tpu.vector_load %arg15[%get3A_14] {strides = array<i32>} : memref<512xf32, #tpu.memory_space<vmem>>, vector<16xf32>,
    %get3A_16 = vector.shape_cast %get3A_15 : vector<16xf32> to vector<16xf32>
    %get3A_17 = arith.constant 0 : index
    %get3A_18 = tpu.vector_load %arg16[%get3A_17] {strides = array<i32>} : memref<512xf32, #tpu.memory_space<vmem>>, vector<16xf32>,
    %get3A_19 = vector.shape_cast %get3A_18 : vector<16xf32> to vector<16xf32>
    %add3A_20 = arith.constant 9.99999997E-7 : f32
    %add3A_21 = vector.broadcast %add3A_20 : f32 to vector<16xf32>
    %add3A_22 = arith.addf %get3A_16, %add3A_21 : vector<16xf32>
    %div3A = arith.divf %get3A_19, %add3A_22 : vector<16xf32>
    %get3A_23 = arith.constant 0 : index
    %get3A_24 = tpu.vector_load %arg17[%get3A_23] {strides = array<i32>} : memref<512xf32, #tpu.memory_space<vmem>>, vector<16xf32>,
    %get3A_25 = vector.shape_cast %get3A_24 : vector<16xf32> to vector<16xf32>
    %get3A_26 = arith.constant 0 : index
    %get3A_27 = tpu.vector_load %arg18[%get3A_26] {strides = array<i32>} : memref<512xf32, #tpu.memory_space<vmem>>, vector<16xf32>,
    %get3A_28 = vector.shape_cast %get3A_27 : vector<16xf32> to vector<16xf32>
    %gt3A = arith.cmpf ogt, %get3A_7, %get3A_4 : vector<16xf32>
    %select_n3A = arith.select %gt3A, %get3A_7, %get3A_4 : vector<16xi1>, vector<16xf32>
    %select_n3A_29 = arith.select %gt3A, %div3A, %get3A_16 : vector<16xi1>, vector<16xf32>
    %gt3A_30 = arith.cmpf ogt, %get3A_10, %select_n3A : vector<16xf32>
    %select_n3A_31 = arith.select %gt3A_30, %get3A_10, %select_n3A : vector<16xi1>, vector<16xf32>
    %select_n3A_32 = arith.select %gt3A_30, %get3A_25, %select_n3A_29 : vector<16xi1>, vector<16xf32>
    %gt3A_33 = arith.cmpf ogt, %get3A_13, %select_n3A_31 : vector<16xf32>
    %select_n3A_34 = arith.select %gt3A_33, %get3A_13, %select_n3A_31 : vector<16xi1>, vector<16xf32>
    %select_n3A_35 = arith.select %gt3A_33, %get3A_28, %select_n3A_32 : vector<16xi1>, vector<16xf32>
    %swap3A = arith.constant 0 : index
    %swap3A_36 = tpu.vector_load %arg19[%swap3A] {strides = array<i32>} : memref<512xf32, #tpu.memory_space<vmem>>, vector<16xf32>,
    %swap3A_37 = vector.shape_cast %swap3A_36 : vector<16xf32> to vector<16xf32>
    %swap3A_38 = vector.shape_cast %select_n3A_35 : vector<16xf32> to vector<16xf32>
    tpu.vector_store %arg19[%swap3A], %swap3A_38 {strides = array<i32>} : memref<512xf32, #tpu.memory_space<vmem>>, vector<16xf32>,
    %get3A_39 = arith.constant 16 : index
    %get3A_40 = tpu.vector_load %arg11[%get3A_39] {strides = array<i32>} : memref<512xf32, #tpu.memory_space<vmem>>, vector<16xf32>,
    %get3A_41 = vector.shape_cast %get3A_40 : vector<16xf32> to vector<16xf32>
    %get3A_42 = arith.constant 16 : index
    %get3A_43 = tpu.vector_load %arg12[%get3A_42] {strides = array<i32>} : memref<512xf32, #tpu.memory_space<vmem>>, vector<16xf32>,
    %get3A_44 = vector.shape_cast %get3A_43 : vector<16xf32> to vector<16xf32>
    %get3A_45 = arith.constant 16 : index
    %get3A_46 = tpu.vector_load %arg13[%get3A_45] {strides = array<i32>} : memref<512xf32, #tpu.memory_space<vmem>>, vector<16xf32>,
    %get3A_47 = vector.shape_cast %get3A_46 : vector<16xf32> to vector<16xf32>
    %get3A_48 = arith.constant 16 : index
    %get3A_49 = tpu.vector_load %arg14[%get3A_48] {strides = array<i32>} : memref<512xf32, #tpu.memory_space<vmem>>, vector<16xf32>,
    %get3A_50 = vector.shape_cast %get3A_49 : vector<16xf32> to vector<16xf32>
    %get3A_51 = arith.constant 16 : index
    %get3A_52 = tpu.vector_load %arg15[%get3A_51] {strides = array<i32>} : memref<512xf32, #tpu.memory_space<vmem>>, vector<16xf32>,
    %get3A_53 = vector.shape_cast %get3A_52 : vector<16xf32> to vector<16xf32>
    %get3A_54 = arith.constant 16 : index
    %get3A_55 = tpu.vector_load %arg16[%get3A_54] {strides = array<i32>} : memref<512xf32, #tpu.memory_space<vmem>>, vector<16xf32>,
    %get3A_56 = vector.shape_cast %get3A_55 : vector<16xf32> to vector<16xf32>
    %add3A_57 = arith.constant 9.99999997E-7 : f32
    %add3A_58 = vector.broadcast %add3A_57 : f32 to vector<16xf32>
    %add3A_59 = arith.addf %get3A_53, %add3A_58 : vector<16xf32>
    %div3A_60 = arith.divf %get3A_56, %add3A_59 : vector<16xf32>
    %get3A_61 = arith.constant 16 : index
    %get3A_62 = tpu.vector_load %arg17[%get3A_61] {strides = array<i32>} : memref<512xf32, #tpu.memory_space<vmem>>, vector<16xf32>,
    %get3A_63 = vector.shape_cast %get3A_62 : vector<16xf32> to vector<16xf32>
    %get3A_64 = arith.constant 16 : index
    %get3A_65 = tpu.vector_load %arg18[%get3A_64] {strides = array<i32>} : memref<512xf32, #tpu.memory_space<vmem>>, vector<16xf32>,
    %get3A_66 = vector.shape_cast %get3A_65 : vector<16xf32> to vector<16xf32>
    %gt3A_67 = arith.cmpf ogt, %get3A_44, %get3A_41 : vector<16xf32>
    %select_n3A_68 = arith.select %gt3A_67, %get3A_44, %get3A_41 : vector<16xi1>, vector<16xf32>
    %select_n3A_69 = arith.select %gt3A_67, %div3A_60, %get3A_53 : vector<16xi1>, vector<16xf32>
    %gt3A_70 = arith.cmpf ogt, %get3A_47, %select_n3A_68 : vector<16xf32>
    %select_n3A_71 = arith.select %gt3A_70, %get3A_47, %select_n3A_68 : vector<16xi1>, vector<16xf32>
    %select_n3A_72 = arith.select %gt3A_70, %get3A_63, %select_n3A_69 : vector<16xi1>, vector<16xf32>
    %gt3A_73 = arith.cmpf ogt, %get3A_50, %select_n3A_71 : vector<16xf32>
    %select_n3A_74 = arith.select %gt3A_73, %get3A_50, %select_n3A_71 : vector<16xi1>, vector<16xf32>
    %select_n3A_75 = arith.select %gt3A_73, %get3A_66, %select_n3A_72 : vector<16xi1>, vector<16xf32>
    %swap3A_76 = arith.constant 16 : index
    %swap3A_77 = tpu.vector_load %arg19[%swap3A_76] {strides = array<i32>} : memref<512xf32, #tpu.memory_space<vmem>>, vector<16xf32>,
    %swap3A_78 = vector.shape_cast %swap3A_77 : vector<16xf32> to vector<16xf32>
    %swap3A_79 = vector.shape_cast %select_n3A_75 : vector<16xf32> to vector<16xf32>
    tpu.vector_store %arg19[%swap3A_76], %swap3A_79 {strides = array<i32>} : memref<512xf32, #tpu.memory_space<vmem>>, vector<16xf32>,
    %get3A_80 = arith.constant 32 : index
    %get3A_81 = tpu.vector_load %arg11[%get3A_80] {strides = array<i32>} : memref<512xf32, #tpu.memory_space<vmem>>, vector<16xf32>,
    %get3A_82 = vector.shape_cast %get3A_81 : vector<16xf32> to vector<16xf32>
    %get3A_83 = arith.constant 32 : index
    %get3A_84 = tpu.vector_load %arg12[%get3A_83] {strides = array<i32>} : memref<512xf32, #tpu.memory_space<vmem>>, vector<16xf32>,
    %get3A_85 = vector.shape_cast %get3A_84 : vector<16xf32> to vector<16xf32>
    %get3A_86 = arith.constant 32 : index
    %get3A_87 = tpu.vector_load %arg13[%get3A_86] {strides = array<i32>} : memref<512xf32, #tpu.memory_space<vmem>>, vector<16xf32>,
    %get3A_88 = vector.shape_cast %get3A_87 : vector<16xf32> to vector<16xf32>
    %get3A_89 = arith.constant 32 : index
    %get3A_90 = tpu.vector_load %arg14[%get3A_89] {strides = array<i32>} : memref<512xf32, #tpu.memory_space<vmem>>, vector<16xf32>,
    %get3A_91 = vector.shape_cast %get3A_90 : vector<16xf32> to vector<16xf32>
    %get3A_92 = arith.constant 32 : index
    %get3A_93 = tpu.vector_load %arg15[%get3A_92] {strides = array<i32>} : memref<512xf32, #tpu.memory_space<vmem>>, vector<16xf32>,
    %get3A_94 = vector.shape_cast %get3A_93 : vector<16xf32> to vector<16xf32>
    %get3A_95 = arith.constant 32 : index
    %get3A_96 = tpu.vector_load %arg16[%get3A_95] {strides = array<i32>} : memref<512xf32, #tpu.memory_space<vmem>>, vector<16xf32>,
    %get3A_97 = vector.shape_cast %get3A_96 : vector<16xf32> to vector<16xf32>
    %add3A_98 = arith.constant 9.99999997E-7 : f32
    %add3A_99 = vector.broadcast %add3A_98 : f32 to vector<16xf32>
    %add3A_100 = arith.addf %get3A_94, %add3A_99 : vector<16xf32>
    %div3A_101 = arith.divf %get3A_97, %add3A_100 : vector<16xf32>
    %get3A_102 = arith.constant 32 : index
    %get3A_103 = tpu.vector_load %arg17[%get3A_102] {strides = array<i32>} : memref<512xf32, #tpu.memory_space<vmem>>, vector<16xf32>,
    %get3A_104 = vector.shape_cast %get3A_103 : vector<16xf32> to vector<16xf32>
    %get3A_105 = arith.constant 32 : index
    %get3A_106 = tpu.vector_load %arg18[%get3A_105] {strides = array<i32>} : memref<512xf32, #tpu.memory_space<vmem>>, vector<16xf32>,
    %get3A_107 = vector.shape_cast %get3A_106 : vector<16xf32> to vector<16xf32>
    %gt3A_108 = arith.cmpf ogt, %get3A_85, %get3A_82 : vector<16xf32>
    %select_n3A_109 = arith.select %gt3A_108, %get3A_85, %get3A_82 : vector<16xi1>, vector<16xf32>
    %select_n3A_110 = arith.select %gt3A_108, %div3A_101, %get3A_94 : vector<16xi1>, vector<16xf32>
    %gt3A_111 = arith.cmpf ogt, %get3A_88, %select_n3A_109 : vector<16xf32>
    %select_n3A_112 = arith.select %gt3A_111, %get3A_88, %select_n3A_109 : vector<16xi1>, vector<16xf32>
    %select_n3A_113 = arith.select %gt3A_111, %get3A_104, %select_n3A_110 : vector<16xi1>, vector<16xf32>
    %gt3A_114 = arith.cmpf ogt, %get3A_91, %select_n3A_112 : vector<16xf32>
    %select_n3A_115 = arith.select %gt3A_114, %get3A_91, %select_n3A_112 : vector<16xi1>, vector<16xf32>
    %select_n3A_116 = arith.select %gt3A_114, %get3A_107, %select_n3A_113 : vector<16xi1>, vector<16xf32>
    %swap3A_117 = arith.constant 32 : index
    %swap3A_118 = tpu.vector_load %arg19[%swap3A_117] {strides = array<i32>} : memref<512xf32, #tpu.memory_space<vmem>>, vector<16xf32>,
    %swap3A_119 = vector.shape_cast %swap3A_118 : vector<16xf32> to vector<16xf32>
    %swap3A_120 = vector.shape_cast %select_n3A_116 : vector<16xf32> to vector<16xf32>
    tpu.vector_store %arg19[%swap3A_117], %swap3A_120 {strides = array<i32>} : memref<512xf32, #tpu.memory_space<vmem>>, vector<16xf32>,
    %get3A_121 = arith.constant 48 : index
    %get3A_122 = tpu.vector_load %arg11[%get3A_121] {strides = array<i32>} : memref<512xf32, #tpu.memory_space<vmem>>, vector<16xf32>,
    %get3A_123 = vector.shape_cast %get3A_122 : vector<16xf32> to vector<16xf32>
    %get3A_124 = arith.constant 48 : index
    %get3A_125 = tpu.vector_load %arg12[%get3A_124] {strides = array<i32>} : memref<512xf32, #tpu.memory_space<vmem>>, vector<16xf32>,
    %get3A_126 = vector.shape_cast %get3A_125 : vector<16xf32> to vector<16xf32>
    %get3A_127 = arith.constant 48 : index
    %get3A_128 = tpu.vector_load %arg13[%get3A_127] {strides = array<i32>} : memref<512xf32, #tpu.memory_space<vmem>>, vector<16xf32>,
    %get3A_129 = vector.shape_cast %get3A_128 : vector<16xf32> to vector<16xf32>
    %get3A_130 = arith.constant 48 : index
    %get3A_131 = tpu.vector_load %arg14[%get3A_130] {strides = array<i32>} : memref<512xf32, #tpu.memory_space<vmem>>, vector<16xf32>,
    %get3A_132 = vector.shape_cast %get3A_131 : vector<16xf32> to vector<16xf32>
    %get3A_133 = arith.constant 48 : index
    %get3A_134 = tpu.vector_load %arg15[%get3A_133] {strides = array<i32>} : memref<512xf32, #tpu.memory_space<vmem>>, vector<16xf32>,
    %get3A_135 = vector.shape_cast %get3A_134 : vector<16xf32> to vector<16xf32>
    %get3A_136 = arith.constant 48 : index
    %get3A_137 = tpu.vector_load %arg16[%get3A_136] {strides = array<i32>} : memref<512xf32, #tpu.memory_space<vmem>>, vector<16xf32>,
    %get3A_138 = vector.shape_cast %get3A_137 : vector<16xf32> to vector<16xf32>
    %add3A_139 = arith.constant 9.99999997E-7 : f32
    %add3A_140 = vector.broadcast %add3A_139 : f32 to vector<16xf32>
    %add3A_141 = arith.addf %get3A_135, %add3A_140 : vector<16xf32>
    %div3A_142 = arith.divf %get3A_138, %add3A_141 : vector<16xf32>
    %get3A_143 = arith.constant 48 : index
    %get3A_144 = tpu.vector_load %arg17[%get3A_143] {strides = array<i32>} : memref<512xf32, #tpu.memory_space<vmem>>, vector<16xf32>,
    %get3A_145 = vector.shape_cast %get3A_144 : vector<16xf32> to vector<16xf32>
    %get3A_146 = arith.constant 48 : index
    %get3A_147 = tpu.vector_load %arg18[%get3A_146] {strides = array<i32>} : memref<512xf32, #tpu.memory_space<vmem>>, vector<16xf32>,
    %get3A_148 = vector.shape_cast %get3A_147 : vector<16xf32> to vector<16xf32>
    %gt3A_149 = arith.cmpf ogt, %get3A_126, %get3A_123 : vector<16xf32>
    %select_n3A_150 = arith.select %gt3A_149, %get3A_126, %get3A_123 : vector<16xi1>, vector<16xf32>
    %select_n3A_151 = arith.select %gt3A_149, %div3A_142, %get3A_135 : vector<16xi1>, vector<16xf32>
    %gt3A_152 = arith.cmpf ogt, %get3A_129, %select_n3A_150 : vector<16xf32>
    %select_n3A_153 = arith.select %gt3A_152, %get3A_129, %select_n3A_150 : vector<16xi1>, vector<16xf32>
    %select_n3A_154 = arith.select %gt3A_152, %get3A_145, %select_n3A_151 : vector<16xi1>, vector<16xf32>
    %gt3A_155 = arith.cmpf ogt, %get3A_132, %select_n3A_153 : vector<16xf32>
    %select_n3A_156 = arith.select %gt3A_155, %get3A_132, %select_n3A_153 : vector<16xi1>, vector<16xf32>
    %select_n3A_157 = arith.select %gt3A_155, %get3A_148, %select_n3A_154 : vector<16xi1>, vector<16xf32>
    %swap3A_158 = arith.constant 48 : index
    %swap3A_159 = tpu.vector_load %arg19[%swap3A_158] {strides = array<i32>} : memref<512xf32, #tpu.memory_space<vmem>>, vector<16xf32>,
    %swap3A_160 = vector.shape_cast %swap3A_159 : vector<16xf32> to vector<16xf32>
    %swap3A_161 = vector.shape_cast %select_n3A_157 : vector<16xf32> to vector<16xf32>
    tpu.vector_store %arg19[%swap3A_158], %swap3A_161 {strides = array<i32>} : memref<512xf32, #tpu.memory_space<vmem>>, vector<16xf32>,
    %get3A_162 = arith.constant 64 : index
    %get3A_163 = tpu.vector_load %arg11[%get3A_162] {strides = array<i32>} : memref<512xf32, #tpu.memory_space<vmem>>, vector<16xf32>,
    %get3A_164 = vector.shape_cast %get3A_163 : vector<16xf32> to vector<16xf32>
    %get3A_165 = arith.constant 64 : index
    %get3A_166 = tpu.vector_load %arg12[%get3A_165] {strides = array<i32>} : memref<512xf32, #tpu.memory_space<vmem>>, vector<16xf32>,
    %get3A_167 = vector.shape_cast %get3A_166 : vector<16xf32> to vector<16xf32>
    %get3A_168 = arith.constant 64 : index
    %get3A_169 = tpu.vector_load %arg13[%get3A_168] {strides = array<i32>} : memref<512xf32, #tpu.memory_space<vmem>>, vector<16xf32>,
    %get3A_170 = vector.shape_cast %get3A_169 : vector<16xf32> to vector<16xf32>
    %get3A_171 = arith.constant 64 : index
    %get3A_172 = tpu.vector_load %arg14[%get3A_171] {strides = array<i32>} : memref<512xf32, #tpu.memory_space<vmem>>, vector<16xf32>,
    %get3A_173 = vector.shape_cast %get3A_172 : vector<16xf32> to vector<16xf32>
    %get3A_174 = arith.constant 64 : index
    %get3A_175 = tpu.vector_load %arg15[%get3A_174] {strides = array<i32>} : memref<512xf32, #tpu.memory_space<vmem>>, vector<16xf32>,
    %get3A_176 = vector.shape_cast %get3A_175 : vector<16xf32> to vector<16xf32>
    %get3A_177 = arith.constant 64 : index
    %get3A_178 = tpu.vector_load %arg16[%get3A_177] {strides = array<i32>} : memref<512xf32, #tpu.memory_space<vmem>>, vector<16xf32>,
    %get3A_179 = vector.shape_cast %get3A_178 : vector<16xf32> to vector<16xf32>
    %add3A_180 = arith.constant 9.99999997E-7 : f32
    %add3A_181 = vector.broadcast %add3A_180 : f32 to vector<16xf32>
    %add3A_182 = arith.addf %get3A_176, %add3A_181 : vector<16xf32>
    %div3A_183 = arith.divf %get3A_179, %add3A_182 : vector<16xf32>
    %get3A_184 = arith.constant 64 : index
    %get3A_185 = tpu.vector_load %arg17[%get3A_184] {strides = array<i32>} : memref<512xf32, #tpu.memory_space<vmem>>, vector<16xf32>,
    %get3A_186 = vector.shape_cast %get3A_185 : vector<16xf32> to vector<16xf32>
    %get3A_187 = arith.constant 64 : index
    %get3A_188 = tpu.vector_load %arg18[%get3A_187] {strides = array<i32>} : memref<512xf32, #tpu.memory_space<vmem>>, vector<16xf32>,
    %get3A_189 = vector.shape_cast %get3A_188 : vector<16xf32> to vector<16xf32>
    %gt3A_190 = arith.cmpf ogt, %get3A_167, %get3A_164 : vector<16xf32>
    %select_n3A_191 = arith.select %gt3A_190, %get3A_167, %get3A_164 : vector<16xi1>, vector<16xf32>
    %select_n3A_192 = arith.select %gt3A_190, %div3A_183, %get3A_176 : vector<16xi1>, vector<16xf32>
    %gt3A_193 = arith.cmpf ogt, %get3A_170, %select_n3A_191 : vector<16xf32>
    %select_n3A_194 = arith.select %gt3A_193, %get3A_170, %select_n3A_191 : vector<16xi1>, vector<16xf32>
    %select_n3A_195 = arith.select %gt3A_193, %get3A_186, %select_n3A_192 : vector<16xi1>, vector<16xf32>
    %gt3A_196 = arith.cmpf ogt, %get3A_173, %select_n3A_194 : vector<16xf32>
    %select_n3A_197 = arith.select %gt3A_196, %get3A_173, %select_n3A_194 : vector<16xi1>, vector<16xf32>
    %select_n3A_198 = arith.select %gt3A_196, %get3A_189, %select_n3A_195 : vector<16xi1>, vector<16xf32>
    %swap3A_199 = arith.constant 64 : index
    %swap3A_200 = tpu.vector_load %arg19[%swap3A_199] {strides = array<i32>} : memref<512xf32, #tpu.memory_space<vmem>>, vector<16xf32>,
    %swap3A_201 = vector.shape_cast %swap3A_200 : vector<16xf32> to vector<16xf32>
    %swap3A_202 = vector.shape_cast %select_n3A_198 : vector<16xf32> to vector<16xf32>
    tpu.vector_store %arg19[%swap3A_199], %swap3A_202 {strides = array<i32>} : memref<512xf32, #tpu.memory_space<vmem>>, vector<16xf32>,
    %get3A_203 = arith.constant 80 : index
    %get3A_204 = tpu.vector_load %arg11[%get3A_203] {strides = array<i32>} : memref<512xf32, #tpu.memory_space<vmem>>, vector<16xf32>,
    %get3A_205 = vector.shape_cast %get3A_204 : vector<16xf32> to vector<16xf32>
    %get3A_206 = arith.constant 80 : index
    %get3A_207 = tpu.vector_load %arg12[%get3A_206] {strides = array<i32>} : memref<512xf32, #tpu.memory_space<vmem>>, vector<16xf32>,
    %get3A_208 = vector.shape_cast %get3A_207 : vector<16xf32> to vector<16xf32>
    %get3A_209 = arith.constant 80 : index
    %get3A_210 = tpu.vector_load %arg13[%get3A_209] {strides = array<i32>} : memref<512xf32, #tpu.memory_space<vmem>>, vector<16xf32>,
    %get3A_211 = vector.shape_cast %get3A_210 : vector<16xf32> to vector<16xf32>
    %get3A_212 = arith.constant 80 : index
    %get3A_213 = tpu.vector_load %arg14[%get3A_212] {strides = array<i32>} : memref<512xf32, #tpu.memory_space<vmem>>, vector<16xf32>,
    %get3A_214 = vector.shape_cast %get3A_213 : vector<16xf32> to vector<16xf32>
    %get3A_215 = arith.constant 80 : index
    %get3A_216 = tpu.vector_load %arg15[%get3A_215] {strides = array<i32>} : memref<512xf32, #tpu.memory_space<vmem>>, vector<16xf32>,
    %get3A_217 = vector.shape_cast %get3A_216 : vector<16xf32> to vector<16xf32>
    %get3A_218 = arith.constant 80 : index
    %get3A_219 = tpu.vector_load %arg16[%get3A_218] {strides = array<i32>} : memref<512xf32, #tpu.memory_space<vmem>>, vector<16xf32>,
    %get3A_220 = vector.shape_cast %get3A_219 : vector<16xf32> to vector<16xf32>
    %add3A_221 = arith.constant 9.99999997E-7 : f32
    %add3A_222 = vector.broadcast %add3A_221 : f32 to vector<16xf32>
    %add3A_223 = arith.addf %get3A_217, %add3A_222 : vector<16xf32>
    %div3A_224 = arith.divf %get3A_220, %add3A_223 : vector<16xf32>
    %get3A_225 = arith.constant 80 : index
    %get3A_226 = tpu.vector_load %arg17[%get3A_225] {strides = array<i32>} : memref<512xf32, #tpu.memory_space<vmem>>, vector<16xf32>,
    %get3A_227 = vector.shape_cast %get3A_226 : vector<16xf32> to vector<16xf32>
    %get3A_228 = arith.constant 80 : index
    %get3A_229 = tpu.vector_load %arg18[%get3A_228] {strides = array<i32>} : memref<512xf32, #tpu.memory_space<vmem>>, vector<16xf32>,
    %get3A_230 = vector.shape_cast %get3A_229 : vector<16xf32> to vector<16xf32>
    %gt3A_231 = arith.cmpf ogt, %get3A_208, %get3A_205 : vector<16xf32>
    %select_n3A_232 = arith.select %gt3A_231, %get3A_208, %get3A_205 : vector<16xi1>, vector<16xf32>
    %select_n3A_233 = arith.select %gt3A_231, %div3A_224, %get3A_217 : vector<16xi1>, vector<16xf32>
    %gt3A_234 = arith.cmpf ogt, %get3A_211, %select_n3A_232 : vector<16xf32>
    %select_n3A_235 = arith.select %gt3A_234, %get3A_211, %select_n3A_232 : vector<16xi1>, vector<16xf32>
    %select_n3A_236 = arith.select %gt3A_234, %get3A_227, %select_n3A_233 : vector<16xi1>, vector<16xf32>
    %gt3A_237 = arith.cmpf ogt, %get3A_214, %select_n3A_235 : vector<16xf32>
    %select_n3A_238 = arith.select %gt3A_237, %get3A_214, %select_n3A_235 : vector<16xi1>, vector<16xf32>
    %select_n3A_239 = arith.select %gt3A_237, %get3A_230, %select_n3A_236 : vector<16xi1>, vector<16xf32>
    %swap3A_240 = arith.constant 80 : index
    %swap3A_241 = tpu.vector_load %arg19[%swap3A_240] {strides = array<i32>} : memref<512xf32, #tpu.memory_space<vmem>>, vector<16xf32>,
    %swap3A_242 = vector.shape_cast %swap3A_241 : vector<16xf32> to vector<16xf32>
    %swap3A_243 = vector.shape_cast %select_n3A_239 : vector<16xf32> to vector<16xf32>
    tpu.vector_store %arg19[%swap3A_240], %swap3A_243 {strides = array<i32>} : memref<512xf32, #tpu.memory_space<vmem>>, vector<16xf32>,
    %get3A_244 = arith.constant 96 : index
    %get3A_245 = tpu.vector_load %arg11[%get3A_244] {strides = array<i32>} : memref<512xf32, #tpu.memory_space<vmem>>, vector<16xf32>,
    %get3A_246 = vector.shape_cast %get3A_245 : vector<16xf32> to vector<16xf32>
    %get3A_247 = arith.constant 96 : index
    %get3A_248 = tpu.vector_load %arg12[%get3A_247] {strides = array<i32>} : memref<512xf32, #tpu.memory_space<vmem>>, vector<16xf32>,
    %get3A_249 = vector.shape_cast %get3A_248 : vector<16xf32> to vector<16xf32>
    %get3A_250 = arith.constant 96 : index
    %get3A_251 = tpu.vector_load %arg13[%get3A_250] {strides = array<i32>} : memref<512xf32, #tpu.memory_space<vmem>>, vector<16xf32>,
    %get3A_252 = vector.shape_cast %get3A_251 : vector<16xf32> to vector<16xf32>
    %get3A_253 = arith.constant 96 : index
    %get3A_254 = tpu.vector_load %arg14[%get3A_253] {strides = array<i32>} : memref<512xf32, #tpu.memory_space<vmem>>, vector<16xf32>,
    %get3A_255 = vector.shape_cast %get3A_254 : vector<16xf32> to vector<16xf32>
    %get3A_256 = arith.constant 96 : index
    %get3A_257 = tpu.vector_load %arg15[%get3A_256] {strides = array<i32>} : memref<512xf32, #tpu.memory_space<vmem>>, vector<16xf32>,
    %get3A_258 = vector.shape_cast %get3A_257 : vector<16xf32> to vector<16xf32>
    %get3A_259 = arith.constant 96 : index
    %get3A_260 = tpu.vector_load %arg16[%get3A_259] {strides = array<i32>} : memref<512xf32, #tpu.memory_space<vmem>>, vector<16xf32>,
    %get3A_261 = vector.shape_cast %get3A_260 : vector<16xf32> to vector<16xf32>
    %add3A_262 = arith.constant 9.99999997E-7 : f32
    %add3A_263 = vector.broadcast %add3A_262 : f32 to vector<16xf32>
    %add3A_264 = arith.addf %get3A_258, %add3A_263 : vector<16xf32>
    %div3A_265 = arith.divf %get3A_261, %add3A_264 : vector<16xf32>
    %get3A_266 = arith.constant 96 : index
    %get3A_267 = tpu.vector_load %arg17[%get3A_266] {strides = array<i32>} : memref<512xf32, #tpu.memory_space<vmem>>, vector<16xf32>,
    %get3A_268 = vector.shape_cast %get3A_267 : vector<16xf32> to vector<16xf32>
    %get3A_269 = arith.constant 96 : index
    %get3A_270 = tpu.vector_load %arg18[%get3A_269] {strides = array<i32>} : memref<512xf32, #tpu.memory_space<vmem>>, vector<16xf32>,
    %get3A_271 = vector.shape_cast %get3A_270 : vector<16xf32> to vector<16xf32>
    %gt3A_272 = arith.cmpf ogt, %get3A_249, %get3A_246 : vector<16xf32>
    %select_n3A_273 = arith.select %gt3A_272, %get3A_249, %get3A_246 : vector<16xi1>, vector<16xf32>
    %select_n3A_274 = arith.select %gt3A_272, %div3A_265, %get3A_258 : vector<16xi1>, vector<16xf32>
    %gt3A_275 = arith.cmpf ogt, %get3A_252, %select_n3A_273 : vector<16xf32>
    %select_n3A_276 = arith.select %gt3A_275, %get3A_252, %select_n3A_273 : vector<16xi1>, vector<16xf32>
    %select_n3A_277 = arith.select %gt3A_275, %get3A_268, %select_n3A_274 : vector<16xi1>, vector<16xf32>
    %gt3A_278 = arith.cmpf ogt, %get3A_255, %select_n3A_276 : vector<16xf32>
    %select_n3A_279 = arith.select %gt3A_278, %get3A_255, %select_n3A_276 : vector<16xi1>, vector<16xf32>
    %select_n3A_280 = arith.select %gt3A_278, %get3A_271, %select_n3A_277 : vector<16xi1>, vector<16xf32>
    %swap3A_281 = arith.constant 96 : index
    %swap3A_282 = tpu.vector_load %arg19[%swap3A_281] {strides = array<i32>} : memref<512xf32, #tpu.memory_space<vmem>>, vector<16xf32>,
    %swap3A_283 = vector.shape_cast %swap3A_282 : vector<16xf32> to vector<16xf32>
    %swap3A_284 = vector.shape_cast %select_n3A_280 : vector<16xf32> to vector<16xf32>
    tpu.vector_store %arg19[%swap3A_281], %swap3A_284 {strides = array<i32>} : memref<512xf32, #tpu.memory_space<vmem>>, vector<16xf32>,
    %get3A_285 = arith.constant 112 : index
    %get3A_286 = tpu.vector_load %arg11[%get3A_285] {strides = array<i32>} : memref<512xf32, #tpu.memory_space<vmem>>, vector<16xf32>,
    %get3A_287 = vector.shape_cast %get3A_286 : vector<16xf32> to vector<16xf32>
    %get3A_288 = arith.constant 112 : index
    %get3A_289 = tpu.vector_load %arg12[%get3A_288] {strides = array<i32>} : memref<512xf32, #tpu.memory_space<vmem>>, vector<16xf32>,
    %get3A_290 = vector.shape_cast %get3A_289 : vector<16xf32> to vector<16xf32>
    %get3A_291 = arith.constant 112 : index
    %get3A_292 = tpu.vector_load %arg13[%get3A_291] {strides = array<i32>} : memref<512xf32, #tpu.memory_space<vmem>>, vector<16xf32>,
    %get3A_293 = vector.shape_cast %get3A_292 : vector<16xf32> to vector<16xf32>
    %get3A_294 = arith.constant 112 : index
    %get3A_295 = tpu.vector_load %arg14[%get3A_294] {strides = array<i32>} : memref<512xf32, #tpu.memory_space<vmem>>, vector<16xf32>,
    %get3A_296 = vector.shape_cast %get3A_295 : vector<16xf32> to vector<16xf32>
    %get3A_297 = arith.constant 112 : index
    %get3A_298 = tpu.vector_load %arg15[%get3A_297] {strides = array<i32>} : memref<512xf32, #tpu.memory_space<vmem>>, vector<16xf32>,
    %get3A_299 = vector.shape_cast %get3A_298 : vector<16xf32> to vector<16xf32>
    %get3A_300 = arith.constant 112 : index
    %get3A_301 = tpu.vector_load %arg16[%get3A_300] {strides = array<i32>} : memref<512xf32, #tpu.memory_space<vmem>>, vector<16xf32>,
    %get3A_302 = vector.shape_cast %get3A_301 : vector<16xf32> to vector<16xf32>
    %add3A_303 = arith.constant 9.99999997E-7 : f32
    %add3A_304 = vector.broadcast %add3A_303 : f32 to vector<16xf32>
    %add3A_305 = arith.addf %get3A_299, %add3A_304 : vector<16xf32>
    %div3A_306 = arith.divf %get3A_302, %add3A_305 : vector<16xf32>
    %get3A_307 = arith.constant 112 : index
    %get3A_308 = tpu.vector_load %arg17[%get3A_307] {strides = array<i32>} : memref<512xf32, #tpu.memory_space<vmem>>, vector<16xf32>,
    %get3A_309 = vector.shape_cast %get3A_308 : vector<16xf32> to vector<16xf32>
    %get3A_310 = arith.constant 112 : index
    %get3A_311 = tpu.vector_load %arg18[%get3A_310] {strides = array<i32>} : memref<512xf32, #tpu.memory_space<vmem>>, vector<16xf32>,
    %get3A_312 = vector.shape_cast %get3A_311 : vector<16xf32> to vector<16xf32>
    %gt3A_313 = arith.cmpf ogt, %get3A_290, %get3A_287 : vector<16xf32>
    %select_n3A_314 = arith.select %gt3A_313, %get3A_290, %get3A_287 : vector<16xi1>, vector<16xf32>
    %select_n3A_315 = arith.select %gt3A_313, %div3A_306, %get3A_299 : vector<16xi1>, vector<16xf32>
    %gt3A_316 = arith.cmpf ogt, %get3A_293, %select_n3A_314 : vector<16xf32>
    %select_n3A_317 = arith.select %gt3A_316, %get3A_293, %select_n3A_314 : vector<16xi1>, vector<16xf32>
    %select_n3A_318 = arith.select %gt3A_316, %get3A_309, %select_n3A_315 : vector<16xi1>, vector<16xf32>
    %gt3A_319 = arith.cmpf ogt, %get3A_296, %select_n3A_317 : vector<16xf32>
    %select_n3A_320 = arith.select %gt3A_319, %get3A_296, %select_n3A_317 : vector<16xi1>, vector<16xf32>
    %select_n3A_321 = arith.select %gt3A_319, %get3A_312, %select_n3A_318 : vector<16xi1>, vector<16xf32>
    %swap3A_322 = arith.constant 112 : index
    %swap3A_323 = tpu.vector_load %arg19[%swap3A_322] {strides = array<i32>} : memref<512xf32, #tpu.memory_space<vmem>>, vector<16xf32>,
    %swap3A_324 = vector.shape_cast %swap3A_323 : vector<16xf32> to vector<16xf32>
    %swap3A_325 = vector.shape_cast %select_n3A_321 : vector<16xf32> to vector<16xf32>
    tpu.vector_store %arg19[%swap3A_322], %swap3A_325 {strides = array<i32>} : memref<512xf32, #tpu.memory_space<vmem>>, vector<16xf32>,
    %get3A_326 = arith.constant 128 : index
    %get3A_327 = tpu.vector_load %arg11[%get3A_326] {strides = array<i32>} : memref<512xf32, #tpu.memory_space<vmem>>, vector<16xf32>,
    %get3A_328 = vector.shape_cast %get3A_327 : vector<16xf32> to vector<16xf32>
    %get3A_329 = arith.constant 128 : index
    %get3A_330 = tpu.vector_load %arg12[%get3A_329] {strides = array<i32>} : memref<512xf32, #tpu.memory_space<vmem>>, vector<16xf32>,
    %get3A_331 = vector.shape_cast %get3A_330 : vector<16xf32> to vector<16xf32>
    %get3A_332 = arith.constant 128 : index
    %get3A_333 = tpu.vector_load %arg13[%get3A_332] {strides = array<i32>} : memref<512xf32, #tpu.memory_space<vmem>>, vector<16xf32>,
    %get3A_334 = vector.shape_cast %get3A_333 : vector<16xf32> to vector<16xf32>
    %get3A_335 = arith.constant 128 : index
    %get3A_336 = tpu.vector_load %arg14[%get3A_335] {strides = array<i32>} : memref<512xf32, #tpu.memory_space<vmem>>, vector<16xf32>,
    %get3A_337 = vector.shape_cast %get3A_336 : vector<16xf32> to vector<16xf32>
    %get3A_338 = arith.constant 128 : index
    %get3A_339 = tpu.vector_load %arg15[%get3A_338] {strides = array<i32>} : memref<512xf32, #tpu.memory_space<vmem>>, vector<16xf32>,
    %get3A_340 = vector.shape_cast %get3A_339 : vector<16xf32> to vector<16xf32>
    %get3A_341 = arith.constant 128 : index
    %get3A_342 = tpu.vector_load %arg16[%get3A_341] {strides = array<i32>} : memref<512xf32, #tpu.memory_space<vmem>>, vector<16xf32>,
    %get3A_343 = vector.shape_cast %get3A_342 : vector<16xf32> to vector<16xf32>
    %add3A_344 = arith.constant 9.99999997E-7 : f32
    %add3A_345 = vector.broadcast %add3A_344 : f32 to vector<16xf32>
    %add3A_346 = arith.addf %get3A_340, %add3A_345 : vector<16xf32>
    %div3A_347 = arith.divf %get3A_343, %add3A_346 : vector<16xf32>
    %get3A_348 = arith.constant 128 : index
    %get3A_349 = tpu.vector_load %arg17[%get3A_348] {strides = array<i32>} : memref<512xf32, #tpu.memory_space<vmem>>, vector<16xf32>,
    %get3A_350 = vector.shape_cast %get3A_349 : vector<16xf32> to vector<16xf32>
    %get3A_351 = arith.constant 128 : index
    %get3A_352 = tpu.vector_load %arg18[%get3A_351] {strides = array<i32>} : memref<512xf32, #tpu.memory_space<vmem>>, vector<16xf32>,
    %get3A_353 = vector.shape_cast %get3A_352 : vector<16xf32> to vector<16xf32>
    %gt3A_354 = arith.cmpf ogt, %get3A_331, %get3A_328 : vector<16xf32>
    %select_n3A_355 = arith.select %gt3A_354, %get3A_331, %get3A_328 : vector<16xi1>, vector<16xf32>
    %select_n3A_356 = arith.select %gt3A_354, %div3A_347, %get3A_340 : vector<16xi1>, vector<16xf32>
    %gt3A_357 = arith.cmpf ogt, %get3A_334, %select_n3A_355 : vector<16xf32>
    %select_n3A_358 = arith.select %gt3A_357, %get3A_334, %select_n3A_355 : vector<16xi1>, vector<16xf32>
    %select_n3A_359 = arith.select %gt3A_357, %get3A_350, %select_n3A_356 : vector<16xi1>, vector<16xf32>
    %gt3A_360 = arith.cmpf ogt, %get3A_337, %select_n3A_358 : vector<16xf32>
    %select_n3A_361 = arith.select %gt3A_360, %get3A_337, %select_n3A_358 : vector<16xi1>, vector<16xf32>
    %select_n3A_362 = arith.select %gt3A_360, %get3A_353, %select_n3A_359 : vector<16xi1>, vector<16xf32>
    %swap3A_363 = arith.constant 128 : index
    %swap3A_364 = tpu.vector_load %arg19[%swap3A_363] {strides = array<i32>} : memref<512xf32, #tpu.memory_space<vmem>>, vector<16xf32>,
    %swap3A_365 = vector.shape_cast %swap3A_364 : vector<16xf32> to vector<16xf32>
    %swap3A_366 = vector.shape_cast %select_n3A_362 : vector<16xf32> to vector<16xf32>
    tpu.vector_store %arg19[%swap3A_363], %swap3A_366 {strides = array<i32>} : memref<512xf32, #tpu.memory_space<vmem>>, vector<16xf32>,
    %get3A_367 = arith.constant 144 : index
    %get3A_368 = tpu.vector_load %arg11[%get3A_367] {strides = array<i32>} : memref<512xf32, #tpu.memory_space<vmem>>, vector<16xf32>,
    %get3A_369 = vector.shape_cast %get3A_368 : vector<16xf32> to vector<16xf32>
    %get3A_370 = arith.constant 144 : index
    %get3A_371 = tpu.vector_load %arg12[%get3A_370] {strides = array<i32>} : memref<512xf32, #tpu.memory_space<vmem>>, vector<16xf32>,
    %get3A_372 = vector.shape_cast %get3A_371 : vector<16xf32> to vector<16xf32>
    %get3A_373 = arith.constant 144 : index
    %get3A_374 = tpu.vector_load %arg13[%get3A_373] {strides = array<i32>} : memref<512xf32, #tpu.memory_space<vmem>>, vector<16xf32>,
    %get3A_375 = vector.shape_cast %get3A_374 : vector<16xf32> to vector<16xf32>
    %get3A_376 = arith.constant 144 : index
    %get3A_377 = tpu.vector_load %arg14[%get3A_376] {strides = array<i32>} : memref<512xf32, #tpu.memory_space<vmem>>, vector<16xf32>,
    %get3A_378 = vector.shape_cast %get3A_377 : vector<16xf32> to vector<16xf32>
    %get3A_379 = arith.constant 144 : index
    %get3A_380 = tpu.vector_load %arg15[%get3A_379] {strides = array<i32>} : memref<512xf32, #tpu.memory_space<vmem>>, vector<16xf32>,
    %get3A_381 = vector.shape_cast %get3A_380 : vector<16xf32> to vector<16xf32>
    %get3A_382 = arith.constant 144 : index
    %get3A_383 = tpu.vector_load %arg16[%get3A_382] {strides = array<i32>} : memref<512xf32, #tpu.memory_space<vmem>>, vector<16xf32>,
    %get3A_384 = vector.shape_cast %get3A_383 : vector<16xf32> to vector<16xf32>
    %add3A_385 = arith.constant 9.99999997E-7 : f32
    %add3A_386 = vector.broadcast %add3A_385 : f32 to vector<16xf32>
    %add3A_387 = arith.addf %get3A_381, %add3A_386 : vector<16xf32>
    %div3A_388 = arith.divf %get3A_384, %add3A_387 : vector<16xf32>
    %get3A_389 = arith.constant 144 : index
    %get3A_390 = tpu.vector_load %arg17[%get3A_389] {strides = array<i32>} : memref<512xf32, #tpu.memory_space<vmem>>, vector<16xf32>,
    %get3A_391 = vector.shape_cast %get3A_390 : vector<16xf32> to vector<16xf32>
    %get3A_392 = arith.constant 144 : index
    %get3A_393 = tpu.vector_load %arg18[%get3A_392] {strides = array<i32>} : memref<512xf32, #tpu.memory_space<vmem>>, vector<16xf32>,
    %get3A_394 = vector.shape_cast %get3A_393 : vector<16xf32> to vector<16xf32>
    %gt3A_395 = arith.cmpf ogt, %get3A_372, %get3A_369 : vector<16xf32>
    %select_n3A_396 = arith.select %gt3A_395, %get3A_372, %get3A_369 : vector<16xi1>, vector<16xf32>
    %select_n3A_397 = arith.select %gt3A_395, %div3A_388, %get3A_381 : vector<16xi1>, vector<16xf32>
    %gt3A_398 = arith.cmpf ogt, %get3A_375, %select_n3A_396 : vector<16xf32>
    %select_n3A_399 = arith.select %gt3A_398, %get3A_375, %select_n3A_396 : vector<16xi1>, vector<16xf32>
    %select_n3A_400 = arith.select %gt3A_398, %get3A_391, %select_n3A_397 : vector<16xi1>, vector<16xf32>
    %gt3A_401 = arith.cmpf ogt, %get3A_378, %select_n3A_399 : vector<16xf32>
    %select_n3A_402 = arith.select %gt3A_401, %get3A_378, %select_n3A_399 : vector<16xi1>, vector<16xf32>
    %select_n3A_403 = arith.select %gt3A_401, %get3A_394, %select_n3A_400 : vector<16xi1>, vector<16xf32>
    %swap3A_404 = arith.constant 144 : index
    %swap3A_405 = tpu.vector_load %arg19[%swap3A_404] {strides = array<i32>} : memref<512xf32, #tpu.memory_space<vmem>>, vector<16xf32>,
    %swap3A_406 = vector.shape_cast %swap3A_405 : vector<16xf32> to vector<16xf32>
    %swap3A_407 = vector.shape_cast %select_n3A_403 : vector<16xf32> to vector<16xf32>
    tpu.vector_store %arg19[%swap3A_404], %swap3A_407 {strides = array<i32>} : memref<512xf32, #tpu.memory_space<vmem>>, vector<16xf32>,
    %get3A_408 = arith.constant 160 : index
    %get3A_409 = tpu.vector_load %arg11[%get3A_408] {strides = array<i32>} : memref<512xf32, #tpu.memory_space<vmem>>, vector<16xf32>,
    %get3A_410 = vector.shape_cast %get3A_409 : vector<16xf32> to vector<16xf32>
    %get3A_411 = arith.constant 160 : index
    %get3A_412 = tpu.vector_load %arg12[%get3A_411] {strides = array<i32>} : memref<512xf32, #tpu.memory_space<vmem>>, vector<16xf32>,
    %get3A_413 = vector.shape_cast %get3A_412 : vector<16xf32> to vector<16xf32>
    %get3A_414 = arith.constant 160 : index
    %get3A_415 = tpu.vector_load %arg13[%get3A_414] {strides = array<i32>} : memref<512xf32, #tpu.memory_space<vmem>>, vector<16xf32>,
    %get3A_416 = vector.shape_cast %get3A_415 : vector<16xf32> to vector<16xf32>
    %get3A_417 = arith.constant 160 : index
    %get3A_418 = tpu.vector_load %arg14[%get3A_417] {strides = array<i32>} : memref<512xf32, #tpu.memory_space<vmem>>, vector<16xf32>,
    %get3A_419 = vector.shape_cast %get3A_418 : vector<16xf32> to vector<16xf32>
    %get3A_420 = arith.constant 160 : index
    %get3A_421 = tpu.vector_load %arg15[%get3A_420] {strides = array<i32>} : memref<512xf32, #tpu.memory_space<vmem>>, vector<16xf32>,
    %get3A_422 = vector.shape_cast %get3A_421 : vector<16xf32> to vector<16xf32>
    %get3A_423 = arith.constant 160 : index
    %get3A_424 = tpu.vector_load %arg16[%get3A_423] {strides = array<i32>} : memref<512xf32, #tpu.memory_space<vmem>>, vector<16xf32>,
    %get3A_425 = vector.shape_cast %get3A_424 : vector<16xf32> to vector<16xf32>
    %add3A_426 = arith.constant 9.99999997E-7 : f32
    %add3A_427 = vector.broadcast %add3A_426 : f32 to vector<16xf32>
    %add3A_428 = arith.addf %get3A_422, %add3A_427 : vector<16xf32>
    %div3A_429 = arith.divf %get3A_425, %add3A_428 : vector<16xf32>
    %get3A_430 = arith.constant 160 : index
    %get3A_431 = tpu.vector_load %arg17[%get3A_430] {strides = array<i32>} : memref<512xf32, #tpu.memory_space<vmem>>, vector<16xf32>,
    %get3A_432 = vector.shape_cast %get3A_431 : vector<16xf32> to vector<16xf32>
    %get3A_433 = arith.constant 160 : index
    %get3A_434 = tpu.vector_load %arg18[%get3A_433] {strides = array<i32>} : memref<512xf32, #tpu.memory_space<vmem>>, vector<16xf32>,
    %get3A_435 = vector.shape_cast %get3A_434 : vector<16xf32> to vector<16xf32>
    %gt3A_436 = arith.cmpf ogt, %get3A_413, %get3A_410 : vector<16xf32>
    %select_n3A_437 = arith.select %gt3A_436, %get3A_413, %get3A_410 : vector<16xi1>, vector<16xf32>
    %select_n3A_438 = arith.select %gt3A_436, %div3A_429, %get3A_422 : vector<16xi1>, vector<16xf32>
    %gt3A_439 = arith.cmpf ogt, %get3A_416, %select_n3A_437 : vector<16xf32>
    %select_n3A_440 = arith.select %gt3A_439, %get3A_416, %select_n3A_437 : vector<16xi1>, vector<16xf32>
    %select_n3A_441 = arith.select %gt3A_439, %get3A_432, %select_n3A_438 : vector<16xi1>, vector<16xf32>
    %gt3A_442 = arith.cmpf ogt, %get3A_419, %select_n3A_440 : vector<16xf32>
    %select_n3A_443 = arith.select %gt3A_442, %get3A_419, %select_n3A_440 : vector<16xi1>, vector<16xf32>
    %select_n3A_444 = arith.select %gt3A_442, %get3A_435, %select_n3A_441 : vector<16xi1>, vector<16xf32>
    %swap3A_445 = arith.constant 160 : index
    %swap3A_446 = tpu.vector_load %arg19[%swap3A_445] {strides = array<i32>} : memref<512xf32, #tpu.memory_space<vmem>>, vector<16xf32>,
    %swap3A_447 = vector.shape_cast %swap3A_446 : vector<16xf32> to vector<16xf32>
    %swap3A_448 = vector.shape_cast %select_n3A_444 : vector<16xf32> to vector<16xf32>
    tpu.vector_store %arg19[%swap3A_445], %swap3A_448 {strides = array<i32>} : memref<512xf32, #tpu.memory_space<vmem>>, vector<16xf32>,
    %get3A_449 = arith.constant 176 : index
    %get3A_450 = tpu.vector_load %arg11[%get3A_449] {strides = array<i32>} : memref<512xf32, #tpu.memory_space<vmem>>, vector<16xf32>,
    %get3A_451 = vector.shape_cast %get3A_450 : vector<16xf32> to vector<16xf32>
    %get3A_452 = arith.constant 176 : index
    %get3A_453 = tpu.vector_load %arg12[%get3A_452] {strides = array<i32>} : memref<512xf32, #tpu.memory_space<vmem>>, vector<16xf32>,
    %get3A_454 = vector.shape_cast %get3A_453 : vector<16xf32> to vector<16xf32>
    %get3A_455 = arith.constant 176 : index
    %get3A_456 = tpu.vector_load %arg13[%get3A_455] {strides = array<i32>} : memref<512xf32, #tpu.memory_space<vmem>>, vector<16xf32>,
    %get3A_457 = vector.shape_cast %get3A_456 : vector<16xf32> to vector<16xf32>
    %get3A_458 = arith.constant 176 : index
    %get3A_459 = tpu.vector_load %arg14[%get3A_458] {strides = array<i32>} : memref<512xf32, #tpu.memory_space<vmem>>, vector<16xf32>,
    %get3A_460 = vector.shape_cast %get3A_459 : vector<16xf32> to vector<16xf32>
    %get3A_461 = arith.constant 176 : index
    %get3A_462 = tpu.vector_load %arg15[%get3A_461] {strides = array<i32>} : memref<512xf32, #tpu.memory_space<vmem>>, vector<16xf32>,
    %get3A_463 = vector.shape_cast %get3A_462 : vector<16xf32> to vector<16xf32>
    %get3A_464 = arith.constant 176 : index
    %get3A_465 = tpu.vector_load %arg16[%get3A_464] {strides = array<i32>} : memref<512xf32, #tpu.memory_space<vmem>>, vector<16xf32>,
    %get3A_466 = vector.shape_cast %get3A_465 : vector<16xf32> to vector<16xf32>
    %add3A_467 = arith.constant 9.99999997E-7 : f32
    %add3A_468 = vector.broadcast %add3A_467 : f32 to vector<16xf32>
    %add3A_469 = arith.addf %get3A_463, %add3A_468 : vector<16xf32>
    %div3A_470 = arith.divf %get3A_466, %add3A_469 : vector<16xf32>
    %get3A_471 = arith.constant 176 : index
    %get3A_472 = tpu.vector_load %arg17[%get3A_471] {strides = array<i32>} : memref<512xf32, #tpu.memory_space<vmem>>, vector<16xf32>,
    %get3A_473 = vector.shape_cast %get3A_472 : vector<16xf32> to vector<16xf32>
    %get3A_474 = arith.constant 176 : index
    %get3A_475 = tpu.vector_load %arg18[%get3A_474] {strides = array<i32>} : memref<512xf32, #tpu.memory_space<vmem>>, vector<16xf32>,
    %get3A_476 = vector.shape_cast %get3A_475 : vector<16xf32> to vector<16xf32>
    %gt3A_477 = arith.cmpf ogt, %get3A_454, %get3A_451 : vector<16xf32>
    %select_n3A_478 = arith.select %gt3A_477, %get3A_454, %get3A_451 : vector<16xi1>, vector<16xf32>
    %select_n3A_479 = arith.select %gt3A_477, %div3A_470, %get3A_463 : vector<16xi1>, vector<16xf32>
    %gt3A_480 = arith.cmpf ogt, %get3A_457, %select_n3A_478 : vector<16xf32>
    %select_n3A_481 = arith.select %gt3A_480, %get3A_457, %select_n3A_478 : vector<16xi1>, vector<16xf32>
    %select_n3A_482 = arith.select %gt3A_480, %get3A_473, %select_n3A_479 : vector<16xi1>, vector<16xf32>
    %gt3A_483 = arith.cmpf ogt, %get3A_460, %select_n3A_481 : vector<16xf32>
    %select_n3A_484 = arith.select %gt3A_483, %get3A_460, %select_n3A_481 : vector<16xi1>, vector<16xf32>
    %select_n3A_485 = arith.select %gt3A_483, %get3A_476, %select_n3A_482 : vector<16xi1>, vector<16xf32>
    %swap3A_486 = arith.constant 176 : index
    %swap3A_487 = tpu.vector_load %arg19[%swap3A_486] {strides = array<i32>} : memref<512xf32, #tpu.memory_space<vmem>>, vector<16xf32>,
    %swap3A_488 = vector.shape_cast %swap3A_487 : vector<16xf32> to vector<16xf32>
    %swap3A_489 = vector.shape_cast %select_n3A_485 : vector<16xf32> to vector<16xf32>
    tpu.vector_store %arg19[%swap3A_486], %swap3A_489 {strides = array<i32>} : memref<512xf32, #tpu.memory_space<vmem>>, vector<16xf32>,
    %get3A_490 = arith.constant 192 : index
    %get3A_491 = tpu.vector_load %arg11[%get3A_490] {strides = array<i32>} : memref<512xf32, #tpu.memory_space<vmem>>, vector<16xf32>,
    %get3A_492 = vector.shape_cast %get3A_491 : vector<16xf32> to vector<16xf32>
    %get3A_493 = arith.constant 192 : index
    %get3A_494 = tpu.vector_load %arg12[%get3A_493] {strides = array<i32>} : memref<512xf32, #tpu.memory_space<vmem>>, vector<16xf32>,
    %get3A_495 = vector.shape_cast %get3A_494 : vector<16xf32> to vector<16xf32>
    %get3A_496 = arith.constant 192 : index
    %get3A_497 = tpu.vector_load %arg13[%get3A_496] {strides = array<i32>} : memref<512xf32, #tpu.memory_space<vmem>>, vector<16xf32>,
    %get3A_498 = vector.shape_cast %get3A_497 : vector<16xf32> to vector<16xf32>
    %get3A_499 = arith.constant 192 : index
    %get3A_500 = tpu.vector_load %arg14[%get3A_499] {strides = array<i32>} : memref<512xf32, #tpu.memory_space<vmem>>, vector<16xf32>,
    %get3A_501 = vector.shape_cast %get3A_500 : vector<16xf32> to vector<16xf32>
    %get3A_502 = arith.constant 192 : index
    %get3A_503 = tpu.vector_load %arg15[%get3A_502] {strides = array<i32>} : memref<512xf32, #tpu.memory_space<vmem>>, vector<16xf32>,
    %get3A_504 = vector.shape_cast %get3A_503 : vector<16xf32> to vector<16xf32>
    %get3A_505 = arith.constant 192 : index
    %get3A_506 = tpu.vector_load %arg16[%get3A_505] {strides = array<i32>} : memref<512xf32, #tpu.memory_space<vmem>>, vector<16xf32>,
    %get3A_507 = vector.shape_cast %get3A_506 : vector<16xf32> to vector<16xf32>
    %add3A_508 = arith.constant 9.99999997E-7 : f32
    %add3A_509 = vector.broadcast %add3A_508 : f32 to vector<16xf32>
    %add3A_510 = arith.addf %get3A_504, %add3A_509 : vector<16xf32>
    %div3A_511 = arith.divf %get3A_507, %add3A_510 : vector<16xf32>
    %get3A_512 = arith.constant 192 : index
    %get3A_513 = tpu.vector_load %arg17[%get3A_512] {strides = array<i32>} : memref<512xf32, #tpu.memory_space<vmem>>, vector<16xf32>,
    %get3A_514 = vector.shape_cast %get3A_513 : vector<16xf32> to vector<16xf32>
    %get3A_515 = arith.constant 192 : index
    %get3A_516 = tpu.vector_load %arg18[%get3A_515] {strides = array<i32>} : memref<512xf32, #tpu.memory_space<vmem>>, vector<16xf32>,
    %get3A_517 = vector.shape_cast %get3A_516 : vector<16xf32> to vector<16xf32>
    %gt3A_518 = arith.cmpf ogt, %get3A_495, %get3A_492 : vector<16xf32>
    %select_n3A_519 = arith.select %gt3A_518, %get3A_495, %get3A_492 : vector<16xi1>, vector<16xf32>
    %select_n3A_520 = arith.select %gt3A_518, %div3A_511, %get3A_504 : vector<16xi1>, vector<16xf32>
    %gt3A_521 = arith.cmpf ogt, %get3A_498, %select_n3A_519 : vector<16xf32>
    %select_n3A_522 = arith.select %gt3A_521, %get3A_498, %select_n3A_519 : vector<16xi1>, vector<16xf32>
    %select_n3A_523 = arith.select %gt3A_521, %get3A_514, %select_n3A_520 : vector<16xi1>, vector<16xf32>
    %gt3A_524 = arith.cmpf ogt, %get3A_501, %select_n3A_522 : vector<16xf32>
    %select_n3A_525 = arith.select %gt3A_524, %get3A_501, %select_n3A_522 : vector<16xi1>, vector<16xf32>
    %select_n3A_526 = arith.select %gt3A_524, %get3A_517, %select_n3A_523 : vector<16xi1>, vector<16xf32>
    %swap3A_527 = arith.constant 192 : index
    %swap3A_528 = tpu.vector_load %arg19[%swap3A_527] {strides = array<i32>} : memref<512xf32, #tpu.memory_space<vmem>>, vector<16xf32>,
    %swap3A_529 = vector.shape_cast %swap3A_528 : vector<16xf32> to vector<16xf32>
    %swap3A_530 = vector.shape_cast %select_n3A_526 : vector<16xf32> to vector<16xf32>
    tpu.vector_store %arg19[%swap3A_527], %swap3A_530 {strides = array<i32>} : memref<512xf32, #tpu.memory_space<vmem>>, vector<16xf32>,
    %get3A_531 = arith.constant 208 : index
    %get3A_532 = tpu.vector_load %arg11[%get3A_531] {strides = array<i32>} : memref<512xf32, #tpu.memory_space<vmem>>, vector<16xf32>,
    %get3A_533 = vector.shape_cast %get3A_532 : vector<16xf32> to vector<16xf32>
    %get3A_534 = arith.constant 208 : index
    %get3A_535 = tpu.vector_load %arg12[%get3A_534] {strides = array<i32>} : memref<512xf32, #tpu.memory_space<vmem>>, vector<16xf32>,
    %get3A_536 = vector.shape_cast %get3A_535 : vector<16xf32> to vector<16xf32>
    %get3A_537 = arith.constant 208 : index
    %get3A_538 = tpu.vector_load %arg13[%get3A_537] {strides = array<i32>} : memref<512xf32, #tpu.memory_space<vmem>>, vector<16xf32>,
    %get3A_539 = vector.shape_cast %get3A_538 : vector<16xf32> to vector<16xf32>
    %get3A_540 = arith.constant 208 : index
    %get3A_541 = tpu.vector_load %arg14[%get3A_540] {strides = array<i32>} : memref<512xf32, #tpu.memory_space<vmem>>, vector<16xf32>,
    %get3A_542 = vector.shape_cast %get3A_541 : vector<16xf32> to vector<16xf32>
    %get3A_543 = arith.constant 208 : index
    %get3A_544 = tpu.vector_load %arg15[%get3A_543] {strides = array<i32>} : memref<512xf32, #tpu.memory_space<vmem>>, vector<16xf32>,
    %get3A_545 = vector.shape_cast %get3A_544 : vector<16xf32> to vector<16xf32>
    %get3A_546 = arith.constant 208 : index
    %get3A_547 = tpu.vector_load %arg16[%get3A_546] {strides = array<i32>} : memref<512xf32, #tpu.memory_space<vmem>>, vector<16xf32>,
    %get3A_548 = vector.shape_cast %get3A_547 : vector<16xf32> to vector<16xf32>
    %add3A_549 = arith.constant 9.99999997E-7 : f32
    %add3A_550 = vector.broadcast %add3A_549 : f32 to vector<16xf32>
    %add3A_551 = arith.addf %get3A_545, %add3A_550 : vector<16xf32>
    %div3A_552 = arith.divf %get3A_548, %add3A_551 : vector<16xf32>
    %get3A_553 = arith.constant 208 : index
    %get3A_554 = tpu.vector_load %arg17[%get3A_553] {strides = array<i32>} : memref<512xf32, #tpu.memory_space<vmem>>, vector<16xf32>,
    %get3A_555 = vector.shape_cast %get3A_554 : vector<16xf32> to vector<16xf32>
    %get3A_556 = arith.constant 208 : index
    %get3A_557 = tpu.vector_load %arg18[%get3A_556] {strides = array<i32>} : memref<512xf32, #tpu.memory_space<vmem>>, vector<16xf32>,
    %get3A_558 = vector.shape_cast %get3A_557 : vector<16xf32> to vector<16xf32>
    %gt3A_559 = arith.cmpf ogt, %get3A_536, %get3A_533 : vector<16xf32>
    %select_n3A_560 = arith.select %gt3A_559, %get3A_536, %get3A_533 : vector<16xi1>, vector<16xf32>
    %select_n3A_561 = arith.select %gt3A_559, %div3A_552, %get3A_545 : vector<16xi1>, vector<16xf32>
    %gt3A_562 = arith.cmpf ogt, %get3A_539, %select_n3A_560 : vector<16xf32>
    %select_n3A_563 = arith.select %gt3A_562, %get3A_539, %select_n3A_560 : vector<16xi1>, vector<16xf32>
    %select_n3A_564 = arith.select %gt3A_562, %get3A_555, %select_n3A_561 : vector<16xi1>, vector<16xf32>
    %gt3A_565 = arith.cmpf ogt, %get3A_542, %select_n3A_563 : vector<16xf32>
    %select_n3A_566 = arith.select %gt3A_565, %get3A_542, %select_n3A_563 : vector<16xi1>, vector<16xf32>
    %select_n3A_567 = arith.select %gt3A_565, %get3A_558, %select_n3A_564 : vector<16xi1>, vector<16xf32>
    %swap3A_568 = arith.constant 208 : index
    %swap3A_569 = tpu.vector_load %arg19[%swap3A_568] {strides = array<i32>} : memref<512xf32, #tpu.memory_space<vmem>>, vector<16xf32>,
    %swap3A_570 = vector.shape_cast %swap3A_569 : vector<16xf32> to vector<16xf32>
    %swap3A_571 = vector.shape_cast %select_n3A_567 : vector<16xf32> to vector<16xf32>
    tpu.vector_store %arg19[%swap3A_568], %swap3A_571 {strides = array<i32>} : memref<512xf32, #tpu.memory_space<vmem>>, vector<16xf32>,
    %get3A_572 = arith.constant 224 : index
    %get3A_573 = tpu.vector_load %arg11[%get3A_572] {strides = array<i32>} : memref<512xf32, #tpu.memory_space<vmem>>, vector<16xf32>,
    %get3A_574 = vector.shape_cast %get3A_573 : vector<16xf32> to vector<16xf32>
    %get3A_575 = arith.constant 224 : index
    %get3A_576 = tpu.vector_load %arg12[%get3A_575] {strides = array<i32>} : memref<512xf32, #tpu.memory_space<vmem>>, vector<16xf32>,
    %get3A_577 = vector.shape_cast %get3A_576 : vector<16xf32> to vector<16xf32>
    %get3A_578 = arith.constant 224 : index
    %get3A_579 = tpu.vector_load %arg13[%get3A_578] {strides = array<i32>} : memref<512xf32, #tpu.memory_space<vmem>>, vector<16xf32>,
    %get3A_580 = vector.shape_cast %get3A_579 : vector<16xf32> to vector<16xf32>
    %get3A_581 = arith.constant 224 : index
    %get3A_582 = tpu.vector_load %arg14[%get3A_581] {strides = array<i32>} : memref<512xf32, #tpu.memory_space<vmem>>, vector<16xf32>,
    %get3A_583 = vector.shape_cast %get3A_582 : vector<16xf32> to vector<16xf32>
    %get3A_584 = arith.constant 224 : index
    %get3A_585 = tpu.vector_load %arg15[%get3A_584] {strides = array<i32>} : memref<512xf32, #tpu.memory_space<vmem>>, vector<16xf32>,
    %get3A_586 = vector.shape_cast %get3A_585 : vector<16xf32> to vector<16xf32>
    %get3A_587 = arith.constant 224 : index
    %get3A_588 = tpu.vector_load %arg16[%get3A_587] {strides = array<i32>} : memref<512xf32, #tpu.memory_space<vmem>>, vector<16xf32>,
    %get3A_589 = vector.shape_cast %get3A_588 : vector<16xf32> to vector<16xf32>
    %add3A_590 = arith.constant 9.99999997E-7 : f32
    %add3A_591 = vector.broadcast %add3A_590 : f32 to vector<16xf32>
    %add3A_592 = arith.addf %get3A_586, %add3A_591 : vector<16xf32>
    %div3A_593 = arith.divf %get3A_589, %add3A_592 : vector<16xf32>
    %get3A_594 = arith.constant 224 : index
    %get3A_595 = tpu.vector_load %arg17[%get3A_594] {strides = array<i32>} : memref<512xf32, #tpu.memory_space<vmem>>, vector<16xf32>,
    %get3A_596 = vector.shape_cast %get3A_595 : vector<16xf32> to vector<16xf32>
    %get3A_597 = arith.constant 224 : index
    %get3A_598 = tpu.vector_load %arg18[%get3A_597] {strides = array<i32>} : memref<512xf32, #tpu.memory_space<vmem>>, vector<16xf32>,
    %get3A_599 = vector.shape_cast %get3A_598 : vector<16xf32> to vector<16xf32>
    %gt3A_600 = arith.cmpf ogt, %get3A_577, %get3A_574 : vector<16xf32>
    %select_n3A_601 = arith.select %gt3A_600, %get3A_577, %get3A_574 : vector<16xi1>, vector<16xf32>
    %select_n3A_602 = arith.select %gt3A_600, %div3A_593, %get3A_586 : vector<16xi1>, vector<16xf32>
    %gt3A_603 = arith.cmpf ogt, %get3A_580, %select_n3A_601 : vector<16xf32>
    %select_n3A_604 = arith.select %gt3A_603, %get3A_580, %select_n3A_601 : vector<16xi1>, vector<16xf32>
    %select_n3A_605 = arith.select %gt3A_603, %get3A_596, %select_n3A_602 : vector<16xi1>, vector<16xf32>
    %gt3A_606 = arith.cmpf ogt, %get3A_583, %select_n3A_604 : vector<16xf32>
    %select_n3A_607 = arith.select %gt3A_606, %get3A_583, %select_n3A_604 : vector<16xi1>, vector<16xf32>
    %select_n3A_608 = arith.select %gt3A_606, %get3A_599, %select_n3A_605 : vector<16xi1>, vector<16xf32>
    %swap3A_609 = arith.constant 224 : index
    %swap3A_610 = tpu.vector_load %arg19[%swap3A_609] {strides = array<i32>} : memref<512xf32, #tpu.memory_space<vmem>>, vector<16xf32>,
    %swap3A_611 = vector.shape_cast %swap3A_610 : vector<16xf32> to vector<16xf32>
    %swap3A_612 = vector.shape_cast %select_n3A_608 : vector<16xf32> to vector<16xf32>
    tpu.vector_store %arg19[%swap3A_609], %swap3A_612 {strides = array<i32>} : memref<512xf32, #tpu.memory_space<vmem>>, vector<16xf32>,
    %get3A_613 = arith.constant 240 : index
    %get3A_614 = tpu.vector_load %arg11[%get3A_613] {strides = array<i32>} : memref<512xf32, #tpu.memory_space<vmem>>, vector<16xf32>,
    %get3A_615 = vector.shape_cast %get3A_614 : vector<16xf32> to vector<16xf32>
    %get3A_616 = arith.constant 240 : index
    %get3A_617 = tpu.vector_load %arg12[%get3A_616] {strides = array<i32>} : memref<512xf32, #tpu.memory_space<vmem>>, vector<16xf32>,
    %get3A_618 = vector.shape_cast %get3A_617 : vector<16xf32> to vector<16xf32>
    %get3A_619 = arith.constant 240 : index
    %get3A_620 = tpu.vector_load %arg13[%get3A_619] {strides = array<i32>} : memref<512xf32, #tpu.memory_space<vmem>>, vector<16xf32>,
    %get3A_621 = vector.shape_cast %get3A_620 : vector<16xf32> to vector<16xf32>
    %get3A_622 = arith.constant 240 : index
    %get3A_623 = tpu.vector_load %arg14[%get3A_622] {strides = array<i32>} : memref<512xf32, #tpu.memory_space<vmem>>, vector<16xf32>,
    %get3A_624 = vector.shape_cast %get3A_623 : vector<16xf32> to vector<16xf32>
    %get3A_625 = arith.constant 240 : index
    %get3A_626 = tpu.vector_load %arg15[%get3A_625] {strides = array<i32>} : memref<512xf32, #tpu.memory_space<vmem>>, vector<16xf32>,
    %get3A_627 = vector.shape_cast %get3A_626 : vector<16xf32> to vector<16xf32>
    %get3A_628 = arith.constant 240 : index
    %get3A_629 = tpu.vector_load %arg16[%get3A_628] {strides = array<i32>} : memref<512xf32, #tpu.memory_space<vmem>>, vector<16xf32>,
    %get3A_630 = vector.shape_cast %get3A_629 : vector<16xf32> to vector<16xf32>
    %add3A_631 = arith.constant 9.99999997E-7 : f32
    %add3A_632 = vector.broadcast %add3A_631 : f32 to vector<16xf32>
    %add3A_633 = arith.addf %get3A_627, %add3A_632 : vector<16xf32>
    %div3A_634 = arith.divf %get3A_630, %add3A_633 : vector<16xf32>
    %get3A_635 = arith.constant 240 : index
    %get3A_636 = tpu.vector_load %arg17[%get3A_635] {strides = array<i32>} : memref<512xf32, #tpu.memory_space<vmem>>, vector<16xf32>,
    %get3A_637 = vector.shape_cast %get3A_636 : vector<16xf32> to vector<16xf32>
    %get3A_638 = arith.constant 240 : index
    %get3A_639 = tpu.vector_load %arg18[%get3A_638] {strides = array<i32>} : memref<512xf32, #tpu.memory_space<vmem>>, vector<16xf32>,
    %get3A_640 = vector.shape_cast %get3A_639 : vector<16xf32> to vector<16xf32>
    %gt3A_641 = arith.cmpf ogt, %get3A_618, %get3A_615 : vector<16xf32>
    %select_n3A_642 = arith.select %gt3A_641, %get3A_618, %get3A_615 : vector<16xi1>, vector<16xf32>
    %select_n3A_643 = arith.select %gt3A_641, %div3A_634, %get3A_627 : vector<16xi1>, vector<16xf32>
    %gt3A_644 = arith.cmpf ogt, %get3A_621, %select_n3A_642 : vector<16xf32>
    %select_n3A_645 = arith.select %gt3A_644, %get3A_621, %select_n3A_642 : vector<16xi1>, vector<16xf32>
    %select_n3A_646 = arith.select %gt3A_644, %get3A_637, %select_n3A_643 : vector<16xi1>, vector<16xf32>
    %gt3A_647 = arith.cmpf ogt, %get3A_624, %select_n3A_645 : vector<16xf32>
    %select_n3A_648 = arith.select %gt3A_647, %get3A_624, %select_n3A_645 : vector<16xi1>, vector<16xf32>
    %select_n3A_649 = arith.select %gt3A_647, %get3A_640, %select_n3A_646 : vector<16xi1>, vector<16xf32>
    %swap3A_650 = arith.constant 240 : index
    %swap3A_651 = tpu.vector_load %arg19[%swap3A_650] {strides = array<i32>} : memref<512xf32, #tpu.memory_space<vmem>>, vector<16xf32>,
    %swap3A_652 = vector.shape_cast %swap3A_651 : vector<16xf32> to vector<16xf32>
    %swap3A_653 = vector.shape_cast %select_n3A_649 : vector<16xf32> to vector<16xf32>
    tpu.vector_store %arg19[%swap3A_650], %swap3A_653 {strides = array<i32>} : memref<512xf32, #tpu.memory_space<vmem>>, vector<16xf32>,
    %get3A_654 = arith.constant 256 : index
    %get3A_655 = tpu.vector_load %arg11[%get3A_654] {strides = array<i32>} : memref<512xf32, #tpu.memory_space<vmem>>, vector<16xf32>,
    %get3A_656 = vector.shape_cast %get3A_655 : vector<16xf32> to vector<16xf32>
    %get3A_657 = arith.constant 256 : index
    %get3A_658 = tpu.vector_load %arg12[%get3A_657] {strides = array<i32>} : memref<512xf32, #tpu.memory_space<vmem>>, vector<16xf32>,
    %get3A_659 = vector.shape_cast %get3A_658 : vector<16xf32> to vector<16xf32>
    %get3A_660 = arith.constant 256 : index
    %get3A_661 = tpu.vector_load %arg13[%get3A_660] {strides = array<i32>} : memref<512xf32, #tpu.memory_space<vmem>>, vector<16xf32>,
    %get3A_662 = vector.shape_cast %get3A_661 : vector<16xf32> to vector<16xf32>
    %get3A_663 = arith.constant 256 : index
    %get3A_664 = tpu.vector_load %arg14[%get3A_663] {strides = array<i32>} : memref<512xf32, #tpu.memory_space<vmem>>, vector<16xf32>,
    %get3A_665 = vector.shape_cast %get3A_664 : vector<16xf32> to vector<16xf32>
    %get3A_666 = arith.constant 256 : index
    %get3A_667 = tpu.vector_load %arg15[%get3A_666] {strides = array<i32>} : memref<512xf32, #tpu.memory_space<vmem>>, vector<16xf32>,
    %get3A_668 = vector.shape_cast %get3A_667 : vector<16xf32> to vector<16xf32>
    %get3A_669 = arith.constant 256 : index
    %get3A_670 = tpu.vector_load %arg16[%get3A_669] {strides = array<i32>} : memref<512xf32, #tpu.memory_space<vmem>>, vector<16xf32>,
    %get3A_671 = vector.shape_cast %get3A_670 : vector<16xf32> to vector<16xf32>
    %add3A_672 = arith.constant 9.99999997E-7 : f32
    %add3A_673 = vector.broadcast %add3A_672 : f32 to vector<16xf32>
    %add3A_674 = arith.addf %get3A_668, %add3A_673 : vector<16xf32>
    %div3A_675 = arith.divf %get3A_671, %add3A_674 : vector<16xf32>
    %get3A_676 = arith.constant 256 : index
    %get3A_677 = tpu.vector_load %arg17[%get3A_676] {strides = array<i32>} : memref<512xf32, #tpu.memory_space<vmem>>, vector<16xf32>,
    %get3A_678 = vector.shape_cast %get3A_677 : vector<16xf32> to vector<16xf32>
    %get3A_679 = arith.constant 256 : index
    %get3A_680 = tpu.vector_load %arg18[%get3A_679] {strides = array<i32>} : memref<512xf32, #tpu.memory_space<vmem>>, vector<16xf32>,
    %get3A_681 = vector.shape_cast %get3A_680 : vector<16xf32> to vector<16xf32>
    %gt3A_682 = arith.cmpf ogt, %get3A_659, %get3A_656 : vector<16xf32>
    %select_n3A_683 = arith.select %gt3A_682, %get3A_659, %get3A_656 : vector<16xi1>, vector<16xf32>
    %select_n3A_684 = arith.select %gt3A_682, %div3A_675, %get3A_668 : vector<16xi1>, vector<16xf32>
    %gt3A_685 = arith.cmpf ogt, %get3A_662, %select_n3A_683 : vector<16xf32>
    %select_n3A_686 = arith.select %gt3A_685, %get3A_662, %select_n3A_683 : vector<16xi1>, vector<16xf32>
    %select_n3A_687 = arith.select %gt3A_685, %get3A_678, %select_n3A_684 : vector<16xi1>, vector<16xf32>
    %gt3A_688 = arith.cmpf ogt, %get3A_665, %select_n3A_686 : vector<16xf32>
    %select_n3A_689 = arith.select %gt3A_688, %get3A_665, %select_n3A_686 : vector<16xi1>, vector<16xf32>
    %select_n3A_690 = arith.select %gt3A_688, %get3A_681, %select_n3A_687 : vector<16xi1>, vector<16xf32>
    %swap3A_691 = arith.constant 256 : index
    %swap3A_692 = tpu.vector_load %arg19[%swap3A_691] {strides = array<i32>} : memref<512xf32, #tpu.memory_space<vmem>>, vector<16xf32>,
    %swap3A_693 = vector.shape_cast %swap3A_692 : vector<16xf32> to vector<16xf32>
    %swap3A_694 = vector.shape_cast %select_n3A_690 : vector<16xf32> to vector<16xf32>
    tpu.vector_store %arg19[%swap3A_691], %swap3A_694 {strides = array<i32>} : memref<512xf32, #tpu.memory_space<vmem>>, vector<16xf32>,
    %get3A_695 = arith.constant 272 : index
    %get3A_696 = tpu.vector_load %arg11[%get3A_695] {strides = array<i32>} : memref<512xf32, #tpu.memory_space<vmem>>, vector<16xf32>,
    %get3A_697 = vector.shape_cast %get3A_696 : vector<16xf32> to vector<16xf32>
    %get3A_698 = arith.constant 272 : index
    %get3A_699 = tpu.vector_load %arg12[%get3A_698] {strides = array<i32>} : memref<512xf32, #tpu.memory_space<vmem>>, vector<16xf32>,
    %get3A_700 = vector.shape_cast %get3A_699 : vector<16xf32> to vector<16xf32>
    %get3A_701 = arith.constant 272 : index
    %get3A_702 = tpu.vector_load %arg13[%get3A_701] {strides = array<i32>} : memref<512xf32, #tpu.memory_space<vmem>>, vector<16xf32>,
    %get3A_703 = vector.shape_cast %get3A_702 : vector<16xf32> to vector<16xf32>
    %get3A_704 = arith.constant 272 : index
    %get3A_705 = tpu.vector_load %arg14[%get3A_704] {strides = array<i32>} : memref<512xf32, #tpu.memory_space<vmem>>, vector<16xf32>,
    %get3A_706 = vector.shape_cast %get3A_705 : vector<16xf32> to vector<16xf32>
    %get3A_707 = arith.constant 272 : index
    %get3A_708 = tpu.vector_load %arg15[%get3A_707] {strides = array<i32>} : memref<512xf32, #tpu.memory_space<vmem>>, vector<16xf32>,
    %get3A_709 = vector.shape_cast %get3A_708 : vector<16xf32> to vector<16xf32>
    %get3A_710 = arith.constant 272 : index
    %get3A_711 = tpu.vector_load %arg16[%get3A_710] {strides = array<i32>} : memref<512xf32, #tpu.memory_space<vmem>>, vector<16xf32>,
    %get3A_712 = vector.shape_cast %get3A_711 : vector<16xf32> to vector<16xf32>
    %add3A_713 = arith.constant 9.99999997E-7 : f32
    %add3A_714 = vector.broadcast %add3A_713 : f32 to vector<16xf32>
    %add3A_715 = arith.addf %get3A_709, %add3A_714 : vector<16xf32>
    %div3A_716 = arith.divf %get3A_712, %add3A_715 : vector<16xf32>
    %get3A_717 = arith.constant 272 : index
    %get3A_718 = tpu.vector_load %arg17[%get3A_717] {strides = array<i32>} : memref<512xf32, #tpu.memory_space<vmem>>, vector<16xf32>,
    %get3A_719 = vector.shape_cast %get3A_718 : vector<16xf32> to vector<16xf32>
    %get3A_720 = arith.constant 272 : index
    %get3A_721 = tpu.vector_load %arg18[%get3A_720] {strides = array<i32>} : memref<512xf32, #tpu.memory_space<vmem>>, vector<16xf32>,
    %get3A_722 = vector.shape_cast %get3A_721 : vector<16xf32> to vector<16xf32>
    %gt3A_723 = arith.cmpf ogt, %get3A_700, %get3A_697 : vector<16xf32>
    %select_n3A_724 = arith.select %gt3A_723, %get3A_700, %get3A_697 : vector<16xi1>, vector<16xf32>
    %select_n3A_725 = arith.select %gt3A_723, %div3A_716, %get3A_709 : vector<16xi1>, vector<16xf32>
    %gt3A_726 = arith.cmpf ogt, %get3A_703, %select_n3A_724 : vector<16xf32>
    %select_n3A_727 = arith.select %gt3A_726, %get3A_703, %select_n3A_724 : vector<16xi1>, vector<16xf32>
    %select_n3A_728 = arith.select %gt3A_726, %get3A_719, %select_n3A_725 : vector<16xi1>, vector<16xf32>
    %gt3A_729 = arith.cmpf ogt, %get3A_706, %select_n3A_727 : vector<16xf32>
    %select_n3A_730 = arith.select %gt3A_729, %get3A_706, %select_n3A_727 : vector<16xi1>, vector<16xf32>
    %select_n3A_731 = arith.select %gt3A_729, %get3A_722, %select_n3A_728 : vector<16xi1>, vector<16xf32>
    %swap3A_732 = arith.constant 272 : index
    %swap3A_733 = tpu.vector_load %arg19[%swap3A_732] {strides = array<i32>} : memref<512xf32, #tpu.memory_space<vmem>>, vector<16xf32>,
    %swap3A_734 = vector.shape_cast %swap3A_733 : vector<16xf32> to vector<16xf32>
    %swap3A_735 = vector.shape_cast %select_n3A_731 : vector<16xf32> to vector<16xf32>
    tpu.vector_store %arg19[%swap3A_732], %swap3A_735 {strides = array<i32>} : memref<512xf32, #tpu.memory_space<vmem>>, vector<16xf32>,
    %get3A_736 = arith.constant 288 : index
    %get3A_737 = tpu.vector_load %arg11[%get3A_736] {strides = array<i32>} : memref<512xf32, #tpu.memory_space<vmem>>, vector<16xf32>,
    %get3A_738 = vector.shape_cast %get3A_737 : vector<16xf32> to vector<16xf32>
    %get3A_739 = arith.constant 288 : index
    %get3A_740 = tpu.vector_load %arg12[%get3A_739] {strides = array<i32>} : memref<512xf32, #tpu.memory_space<vmem>>, vector<16xf32>,
    %get3A_741 = vector.shape_cast %get3A_740 : vector<16xf32> to vector<16xf32>
    %get3A_742 = arith.constant 288 : index
    %get3A_743 = tpu.vector_load %arg13[%get3A_742] {strides = array<i32>} : memref<512xf32, #tpu.memory_space<vmem>>, vector<16xf32>,
    %get3A_744 = vector.shape_cast %get3A_743 : vector<16xf32> to vector<16xf32>
    %get3A_745 = arith.constant 288 : index
    %get3A_746 = tpu.vector_load %arg14[%get3A_745] {strides = array<i32>} : memref<512xf32, #tpu.memory_space<vmem>>, vector<16xf32>,
    %get3A_747 = vector.shape_cast %get3A_746 : vector<16xf32> to vector<16xf32>
    %get3A_748 = arith.constant 288 : index
    %get3A_749 = tpu.vector_load %arg15[%get3A_748] {strides = array<i32>} : memref<512xf32, #tpu.memory_space<vmem>>, vector<16xf32>,
    %get3A_750 = vector.shape_cast %get3A_749 : vector<16xf32> to vector<16xf32>
    %get3A_751 = arith.constant 288 : index
    %get3A_752 = tpu.vector_load %arg16[%get3A_751] {strides = array<i32>} : memref<512xf32, #tpu.memory_space<vmem>>, vector<16xf32>,
    %get3A_753 = vector.shape_cast %get3A_752 : vector<16xf32> to vector<16xf32>
    %add3A_754 = arith.constant 9.99999997E-7 : f32
    %add3A_755 = vector.broadcast %add3A_754 : f32 to vector<16xf32>
    %add3A_756 = arith.addf %get3A_750, %add3A_755 : vector<16xf32>
    %div3A_757 = arith.divf %get3A_753, %add3A_756 : vector<16xf32>
    %get3A_758 = arith.constant 288 : index
    %get3A_759 = tpu.vector_load %arg17[%get3A_758] {strides = array<i32>} : memref<512xf32, #tpu.memory_space<vmem>>, vector<16xf32>,
    %get3A_760 = vector.shape_cast %get3A_759 : vector<16xf32> to vector<16xf32>
    %get3A_761 = arith.constant 288 : index
    %get3A_762 = tpu.vector_load %arg18[%get3A_761] {strides = array<i32>} : memref<512xf32, #tpu.memory_space<vmem>>, vector<16xf32>,
    %get3A_763 = vector.shape_cast %get3A_762 : vector<16xf32> to vector<16xf32>
    %gt3A_764 = arith.cmpf ogt, %get3A_741, %get3A_738 : vector<16xf32>
    %select_n3A_765 = arith.select %gt3A_764, %get3A_741, %get3A_738 : vector<16xi1>, vector<16xf32>
    %select_n3A_766 = arith.select %gt3A_764, %div3A_757, %get3A_750 : vector<16xi1>, vector<16xf32>
    %gt3A_767 = arith.cmpf ogt, %get3A_744, %select_n3A_765 : vector<16xf32>
    %select_n3A_768 = arith.select %gt3A_767, %get3A_744, %select_n3A_765 : vector<16xi1>, vector<16xf32>
    %select_n3A_769 = arith.select %gt3A_767, %get3A_760, %select_n3A_766 : vector<16xi1>, vector<16xf32>
    %gt3A_770 = arith.cmpf ogt, %get3A_747, %select_n3A_768 : vector<16xf32>
    %select_n3A_771 = arith.select %gt3A_770, %get3A_747, %select_n3A_768 : vector<16xi1>, vector<16xf32>
    %select_n3A_772 = arith.select %gt3A_770, %get3A_763, %select_n3A_769 : vector<16xi1>, vector<16xf32>
    %swap3A_773 = arith.constant 288 : index
    %swap3A_774 = tpu.vector_load %arg19[%swap3A_773] {strides = array<i32>} : memref<512xf32, #tpu.memory_space<vmem>>, vector<16xf32>,
    %swap3A_775 = vector.shape_cast %swap3A_774 : vector<16xf32> to vector<16xf32>
    %swap3A_776 = vector.shape_cast %select_n3A_772 : vector<16xf32> to vector<16xf32>
    tpu.vector_store %arg19[%swap3A_773], %swap3A_776 {strides = array<i32>} : memref<512xf32, #tpu.memory_space<vmem>>, vector<16xf32>,
    %get3A_777 = arith.constant 304 : index
    %get3A_778 = tpu.vector_load %arg11[%get3A_777] {strides = array<i32>} : memref<512xf32, #tpu.memory_space<vmem>>, vector<16xf32>,
    %get3A_779 = vector.shape_cast %get3A_778 : vector<16xf32> to vector<16xf32>
    %get3A_780 = arith.constant 304 : index
    %get3A_781 = tpu.vector_load %arg12[%get3A_780] {strides = array<i32>} : memref<512xf32, #tpu.memory_space<vmem>>, vector<16xf32>,
    %get3A_782 = vector.shape_cast %get3A_781 : vector<16xf32> to vector<16xf32>
    %get3A_783 = arith.constant 304 : index
    %get3A_784 = tpu.vector_load %arg13[%get3A_783] {strides = array<i32>} : memref<512xf32, #tpu.memory_space<vmem>>, vector<16xf32>,
    %get3A_785 = vector.shape_cast %get3A_784 : vector<16xf32> to vector<16xf32>
    %get3A_786 = arith.constant 304 : index
    %get3A_787 = tpu.vector_load %arg14[%get3A_786] {strides = array<i32>} : memref<512xf32, #tpu.memory_space<vmem>>, vector<16xf32>,
    %get3A_788 = vector.shape_cast %get3A_787 : vector<16xf32> to vector<16xf32>
    %get3A_789 = arith.constant 304 : index
    %get3A_790 = tpu.vector_load %arg15[%get3A_789] {strides = array<i32>} : memref<512xf32, #tpu.memory_space<vmem>>, vector<16xf32>,
    %get3A_791 = vector.shape_cast %get3A_790 : vector<16xf32> to vector<16xf32>
    %get3A_792 = arith.constant 304 : index
    %get3A_793 = tpu.vector_load %arg16[%get3A_792] {strides = array<i32>} : memref<512xf32, #tpu.memory_space<vmem>>, vector<16xf32>,
    %get3A_794 = vector.shape_cast %get3A_793 : vector<16xf32> to vector<16xf32>
    %add3A_795 = arith.constant 9.99999997E-7 : f32
    %add3A_796 = vector.broadcast %add3A_795 : f32 to vector<16xf32>
    %add3A_797 = arith.addf %get3A_791, %add3A_796 : vector<16xf32>
    %div3A_798 = arith.divf %get3A_794, %add3A_797 : vector<16xf32>
    %get3A_799 = arith.constant 304 : index
    %get3A_800 = tpu.vector_load %arg17[%get3A_799] {strides = array<i32>} : memref<512xf32, #tpu.memory_space<vmem>>, vector<16xf32>,
    %get3A_801 = vector.shape_cast %get3A_800 : vector<16xf32> to vector<16xf32>
    %get3A_802 = arith.constant 304 : index
    %get3A_803 = tpu.vector_load %arg18[%get3A_802] {strides = array<i32>} : memref<512xf32, #tpu.memory_space<vmem>>, vector<16xf32>,
    %get3A_804 = vector.shape_cast %get3A_803 : vector<16xf32> to vector<16xf32>
    %gt3A_805 = arith.cmpf ogt, %get3A_782, %get3A_779 : vector<16xf32>
    %select_n3A_806 = arith.select %gt3A_805, %get3A_782, %get3A_779 : vector<16xi1>, vector<16xf32>
    %select_n3A_807 = arith.select %gt3A_805, %div3A_798, %get3A_791 : vector<16xi1>, vector<16xf32>
    %gt3A_808 = arith.cmpf ogt, %get3A_785, %select_n3A_806 : vector<16xf32>
    %select_n3A_809 = arith.select %gt3A_808, %get3A_785, %select_n3A_806 : vector<16xi1>, vector<16xf32>
    %select_n3A_810 = arith.select %gt3A_808, %get3A_801, %select_n3A_807 : vector<16xi1>, vector<16xf32>
    %gt3A_811 = arith.cmpf ogt, %get3A_788, %select_n3A_809 : vector<16xf32>
    %select_n3A_812 = arith.select %gt3A_811, %get3A_788, %select_n3A_809 : vector<16xi1>, vector<16xf32>
    %select_n3A_813 = arith.select %gt3A_811, %get3A_804, %select_n3A_810 : vector<16xi1>, vector<16xf32>
    %swap3A_814 = arith.constant 304 : index
    %swap3A_815 = tpu.vector_load %arg19[%swap3A_814] {strides = array<i32>} : memref<512xf32, #tpu.memory_space<vmem>>, vector<16xf32>,
    %swap3A_816 = vector.shape_cast %swap3A_815 : vector<16xf32> to vector<16xf32>
    %swap3A_817 = vector.shape_cast %select_n3A_813 : vector<16xf32> to vector<16xf32>
    tpu.vector_store %arg19[%swap3A_814], %swap3A_817 {strides = array<i32>} : memref<512xf32, #tpu.memory_space<vmem>>, vector<16xf32>,
    %get3A_818 = arith.constant 320 : index
    %get3A_819 = tpu.vector_load %arg11[%get3A_818] {strides = array<i32>} : memref<512xf32, #tpu.memory_space<vmem>>, vector<16xf32>,
    %get3A_820 = vector.shape_cast %get3A_819 : vector<16xf32> to vector<16xf32>
    %get3A_821 = arith.constant 320 : index
    %get3A_822 = tpu.vector_load %arg12[%get3A_821] {strides = array<i32>} : memref<512xf32, #tpu.memory_space<vmem>>, vector<16xf32>,
    %get3A_823 = vector.shape_cast %get3A_822 : vector<16xf32> to vector<16xf32>
    %get3A_824 = arith.constant 320 : index
    %get3A_825 = tpu.vector_load %arg13[%get3A_824] {strides = array<i32>} : memref<512xf32, #tpu.memory_space<vmem>>, vector<16xf32>,
    %get3A_826 = vector.shape_cast %get3A_825 : vector<16xf32> to vector<16xf32>
    %get3A_827 = arith.constant 320 : index
    %get3A_828 = tpu.vector_load %arg14[%get3A_827] {strides = array<i32>} : memref<512xf32, #tpu.memory_space<vmem>>, vector<16xf32>,
    %get3A_829 = vector.shape_cast %get3A_828 : vector<16xf32> to vector<16xf32>
    %get3A_830 = arith.constant 320 : index
    %get3A_831 = tpu.vector_load %arg15[%get3A_830] {strides = array<i32>} : memref<512xf32, #tpu.memory_space<vmem>>, vector<16xf32>,
    %get3A_832 = vector.shape_cast %get3A_831 : vector<16xf32> to vector<16xf32>
    %get3A_833 = arith.constant 320 : index
    %get3A_834 = tpu.vector_load %arg16[%get3A_833] {strides = array<i32>} : memref<512xf32, #tpu.memory_space<vmem>>, vector<16xf32>,
    %get3A_835 = vector.shape_cast %get3A_834 : vector<16xf32> to vector<16xf32>
    %add3A_836 = arith.constant 9.99999997E-7 : f32
    %add3A_837 = vector.broadcast %add3A_836 : f32 to vector<16xf32>
    %add3A_838 = arith.addf %get3A_832, %add3A_837 : vector<16xf32>
    %div3A_839 = arith.divf %get3A_835, %add3A_838 : vector<16xf32>
    %get3A_840 = arith.constant 320 : index
    %get3A_841 = tpu.vector_load %arg17[%get3A_840] {strides = array<i32>} : memref<512xf32, #tpu.memory_space<vmem>>, vector<16xf32>,
    %get3A_842 = vector.shape_cast %get3A_841 : vector<16xf32> to vector<16xf32>
    %get3A_843 = arith.constant 320 : index
    %get3A_844 = tpu.vector_load %arg18[%get3A_843] {strides = array<i32>} : memref<512xf32, #tpu.memory_space<vmem>>, vector<16xf32>,
    %get3A_845 = vector.shape_cast %get3A_844 : vector<16xf32> to vector<16xf32>
    %gt3A_846 = arith.cmpf ogt, %get3A_823, %get3A_820 : vector<16xf32>
    %select_n3A_847 = arith.select %gt3A_846, %get3A_823, %get3A_820 : vector<16xi1>, vector<16xf32>
    %select_n3A_848 = arith.select %gt3A_846, %div3A_839, %get3A_832 : vector<16xi1>, vector<16xf32>
    %gt3A_849 = arith.cmpf ogt, %get3A_826, %select_n3A_847 : vector<16xf32>
    %select_n3A_850 = arith.select %gt3A_849, %get3A_826, %select_n3A_847 : vector<16xi1>, vector<16xf32>
    %select_n3A_851 = arith.select %gt3A_849, %get3A_842, %select_n3A_848 : vector<16xi1>, vector<16xf32>
    %gt3A_852 = arith.cmpf ogt, %get3A_829, %select_n3A_850 : vector<16xf32>
    %select_n3A_853 = arith.select %gt3A_852, %get3A_829, %select_n3A_850 : vector<16xi1>, vector<16xf32>
    %select_n3A_854 = arith.select %gt3A_852, %get3A_845, %select_n3A_851 : vector<16xi1>, vector<16xf32>
    %swap3A_855 = arith.constant 320 : index
    %swap3A_856 = tpu.vector_load %arg19[%swap3A_855] {strides = array<i32>} : memref<512xf32, #tpu.memory_space<vmem>>, vector<16xf32>,
    %swap3A_857 = vector.shape_cast %swap3A_856 : vector<16xf32> to vector<16xf32>
    %swap3A_858 = vector.shape_cast %select_n3A_854 : vector<16xf32> to vector<16xf32>
    tpu.vector_store %arg19[%swap3A_855], %swap3A_858 {strides = array<i32>} : memref<512xf32, #tpu.memory_space<vmem>>, vector<16xf32>,
    %get3A_859 = arith.constant 336 : index
    %get3A_860 = tpu.vector_load %arg11[%get3A_859] {strides = array<i32>} : memref<512xf32, #tpu.memory_space<vmem>>, vector<16xf32>,
    %get3A_861 = vector.shape_cast %get3A_860 : vector<16xf32> to vector<16xf32>
    %get3A_862 = arith.constant 336 : index
    %get3A_863 = tpu.vector_load %arg12[%get3A_862] {strides = array<i32>} : memref<512xf32, #tpu.memory_space<vmem>>, vector<16xf32>,
    %get3A_864 = vector.shape_cast %get3A_863 : vector<16xf32> to vector<16xf32>
    %get3A_865 = arith.constant 336 : index
    %get3A_866 = tpu.vector_load %arg13[%get3A_865] {strides = array<i32>} : memref<512xf32, #tpu.memory_space<vmem>>, vector<16xf32>,
    %get3A_867 = vector.shape_cast %get3A_866 : vector<16xf32> to vector<16xf32>
    %get3A_868 = arith.constant 336 : index
    %get3A_869 = tpu.vector_load %arg14[%get3A_868] {strides = array<i32>} : memref<512xf32, #tpu.memory_space<vmem>>, vector<16xf32>,
    %get3A_870 = vector.shape_cast %get3A_869 : vector<16xf32> to vector<16xf32>
    %get3A_871 = arith.constant 336 : index
    %get3A_872 = tpu.vector_load %arg15[%get3A_871] {strides = array<i32>} : memref<512xf32, #tpu.memory_space<vmem>>, vector<16xf32>,
    %get3A_873 = vector.shape_cast %get3A_872 : vector<16xf32> to vector<16xf32>
    %get3A_874 = arith.constant 336 : index
    %get3A_875 = tpu.vector_load %arg16[%get3A_874] {strides = array<i32>} : memref<512xf32, #tpu.memory_space<vmem>>, vector<16xf32>,
    %get3A_876 = vector.shape_cast %get3A_875 : vector<16xf32> to vector<16xf32>
    %add3A_877 = arith.constant 9.99999997E-7 : f32
    %add3A_878 = vector.broadcast %add3A_877 : f32 to vector<16xf32>
    %add3A_879 = arith.addf %get3A_873, %add3A_878 : vector<16xf32>
    %div3A_880 = arith.divf %get3A_876, %add3A_879 : vector<16xf32>
    %get3A_881 = arith.constant 336 : index
    %get3A_882 = tpu.vector_load %arg17[%get3A_881] {strides = array<i32>} : memref<512xf32, #tpu.memory_space<vmem>>, vector<16xf32>,
    %get3A_883 = vector.shape_cast %get3A_882 : vector<16xf32> to vector<16xf32>
    %get3A_884 = arith.constant 336 : index
    %get3A_885 = tpu.vector_load %arg18[%get3A_884] {strides = array<i32>} : memref<512xf32, #tpu.memory_space<vmem>>, vector<16xf32>,
    %get3A_886 = vector.shape_cast %get3A_885 : vector<16xf32> to vector<16xf32>
    %gt3A_887 = arith.cmpf ogt, %get3A_864, %get3A_861 : vector<16xf32>
    %select_n3A_888 = arith.select %gt3A_887, %get3A_864, %get3A_861 : vector<16xi1>, vector<16xf32>
    %select_n3A_889 = arith.select %gt3A_887, %div3A_880, %get3A_873 : vector<16xi1>, vector<16xf32>
    %gt3A_890 = arith.cmpf ogt, %get3A_867, %select_n3A_888 : vector<16xf32>
    %select_n3A_891 = arith.select %gt3A_890, %get3A_867, %select_n3A_888 : vector<16xi1>, vector<16xf32>
    %select_n3A_892 = arith.select %gt3A_890, %get3A_883, %select_n3A_889 : vector<16xi1>, vector<16xf32>
    %gt3A_893 = arith.cmpf ogt, %get3A_870, %select_n3A_891 : vector<16xf32>
    %select_n3A_894 = arith.select %gt3A_893, %get3A_870, %select_n3A_891 : vector<16xi1>, vector<16xf32>
    %select_n3A_895 = arith.select %gt3A_893, %get3A_886, %select_n3A_892 : vector<16xi1>, vector<16xf32>
    %swap3A_896 = arith.constant 336 : index
    %swap3A_897 = tpu.vector_load %arg19[%swap3A_896] {strides = array<i32>} : memref<512xf32, #tpu.memory_space<vmem>>, vector<16xf32>,
    %swap3A_898 = vector.shape_cast %swap3A_897 : vector<16xf32> to vector<16xf32>
    %swap3A_899 = vector.shape_cast %select_n3A_895 : vector<16xf32> to vector<16xf32>
    tpu.vector_store %arg19[%swap3A_896], %swap3A_899 {strides = array<i32>} : memref<512xf32, #tpu.memory_space<vmem>>, vector<16xf32>,
    %get3A_900 = arith.constant 352 : index
    %get3A_901 = tpu.vector_load %arg11[%get3A_900] {strides = array<i32>} : memref<512xf32, #tpu.memory_space<vmem>>, vector<16xf32>,
    %get3A_902 = vector.shape_cast %get3A_901 : vector<16xf32> to vector<16xf32>
    %get3A_903 = arith.constant 352 : index
    %get3A_904 = tpu.vector_load %arg12[%get3A_903] {strides = array<i32>} : memref<512xf32, #tpu.memory_space<vmem>>, vector<16xf32>,
    %get3A_905 = vector.shape_cast %get3A_904 : vector<16xf32> to vector<16xf32>
    %get3A_906 = arith.constant 352 : index
    %get3A_907 = tpu.vector_load %arg13[%get3A_906] {strides = array<i32>} : memref<512xf32, #tpu.memory_space<vmem>>, vector<16xf32>,
    %get3A_908 = vector.shape_cast %get3A_907 : vector<16xf32> to vector<16xf32>
    %get3A_909 = arith.constant 352 : index
    %get3A_910 = tpu.vector_load %arg14[%get3A_909] {strides = array<i32>} : memref<512xf32, #tpu.memory_space<vmem>>, vector<16xf32>,
    %get3A_911 = vector.shape_cast %get3A_910 : vector<16xf32> to vector<16xf32>
    %get3A_912 = arith.constant 352 : index
    %get3A_913 = tpu.vector_load %arg15[%get3A_912] {strides = array<i32>} : memref<512xf32, #tpu.memory_space<vmem>>, vector<16xf32>,
    %get3A_914 = vector.shape_cast %get3A_913 : vector<16xf32> to vector<16xf32>
    %get3A_915 = arith.constant 352 : index
    %get3A_916 = tpu.vector_load %arg16[%get3A_915] {strides = array<i32>} : memref<512xf32, #tpu.memory_space<vmem>>, vector<16xf32>,
    %get3A_917 = vector.shape_cast %get3A_916 : vector<16xf32> to vector<16xf32>
    %add3A_918 = arith.constant 9.99999997E-7 : f32
    %add3A_919 = vector.broadcast %add3A_918 : f32 to vector<16xf32>
    %add3A_920 = arith.addf %get3A_914, %add3A_919 : vector<16xf32>
    %div3A_921 = arith.divf %get3A_917, %add3A_920 : vector<16xf32>
    %get3A_922 = arith.constant 352 : index
    %get3A_923 = tpu.vector_load %arg17[%get3A_922] {strides = array<i32>} : memref<512xf32, #tpu.memory_space<vmem>>, vector<16xf32>,
    %get3A_924 = vector.shape_cast %get3A_923 : vector<16xf32> to vector<16xf32>
    %get3A_925 = arith.constant 352 : index
    %get3A_926 = tpu.vector_load %arg18[%get3A_925] {strides = array<i32>} : memref<512xf32, #tpu.memory_space<vmem>>, vector<16xf32>,
    %get3A_927 = vector.shape_cast %get3A_926 : vector<16xf32> to vector<16xf32>
    %gt3A_928 = arith.cmpf ogt, %get3A_905, %get3A_902 : vector<16xf32>
    %select_n3A_929 = arith.select %gt3A_928, %get3A_905, %get3A_902 : vector<16xi1>, vector<16xf32>
    %select_n3A_930 = arith.select %gt3A_928, %div3A_921, %get3A_914 : vector<16xi1>, vector<16xf32>
    %gt3A_931 = arith.cmpf ogt, %get3A_908, %select_n3A_929 : vector<16xf32>
    %select_n3A_932 = arith.select %gt3A_931, %get3A_908, %select_n3A_929 : vector<16xi1>, vector<16xf32>
    %select_n3A_933 = arith.select %gt3A_931, %get3A_924, %select_n3A_930 : vector<16xi1>, vector<16xf32>
    %gt3A_934 = arith.cmpf ogt, %get3A_911, %select_n3A_932 : vector<16xf32>
    %select_n3A_935 = arith.select %gt3A_934, %get3A_911, %select_n3A_932 : vector<16xi1>, vector<16xf32>
    %select_n3A_936 = arith.select %gt3A_934, %get3A_927, %select_n3A_933 : vector<16xi1>, vector<16xf32>
    %swap3A_937 = arith.constant 352 : index
    %swap3A_938 = tpu.vector_load %arg19[%swap3A_937] {strides = array<i32>} : memref<512xf32, #tpu.memory_space<vmem>>, vector<16xf32>,
    %swap3A_939 = vector.shape_cast %swap3A_938 : vector<16xf32> to vector<16xf32>
    %swap3A_940 = vector.shape_cast %select_n3A_936 : vector<16xf32> to vector<16xf32>
    tpu.vector_store %arg19[%swap3A_937], %swap3A_940 {strides = array<i32>} : memref<512xf32, #tpu.memory_space<vmem>>, vector<16xf32>,
    %get3A_941 = arith.constant 368 : index
    %get3A_942 = tpu.vector_load %arg11[%get3A_941] {strides = array<i32>} : memref<512xf32, #tpu.memory_space<vmem>>, vector<16xf32>,
    %get3A_943 = vector.shape_cast %get3A_942 : vector<16xf32> to vector<16xf32>
    %get3A_944 = arith.constant 368 : index
    %get3A_945 = tpu.vector_load %arg12[%get3A_944] {strides = array<i32>} : memref<512xf32, #tpu.memory_space<vmem>>, vector<16xf32>,
    %get3A_946 = vector.shape_cast %get3A_945 : vector<16xf32> to vector<16xf32>
    %get3A_947 = arith.constant 368 : index
    %get3A_948 = tpu.vector_load %arg13[%get3A_947] {strides = array<i32>} : memref<512xf32, #tpu.memory_space<vmem>>, vector<16xf32>,
    %get3A_949 = vector.shape_cast %get3A_948 : vector<16xf32> to vector<16xf32>
    %get3A_950 = arith.constant 368 : index
    %get3A_951 = tpu.vector_load %arg14[%get3A_950] {strides = array<i32>} : memref<512xf32, #tpu.memory_space<vmem>>, vector<16xf32>,
    %get3A_952 = vector.shape_cast %get3A_951 : vector<16xf32> to vector<16xf32>
    %get3A_953 = arith.constant 368 : index
    %get3A_954 = tpu.vector_load %arg15[%get3A_953] {strides = array<i32>} : memref<512xf32, #tpu.memory_space<vmem>>, vector<16xf32>,
    %get3A_955 = vector.shape_cast %get3A_954 : vector<16xf32> to vector<16xf32>
    %get3A_956 = arith.constant 368 : index
    %get3A_957 = tpu.vector_load %arg16[%get3A_956] {strides = array<i32>} : memref<512xf32, #tpu.memory_space<vmem>>, vector<16xf32>,
    %get3A_958 = vector.shape_cast %get3A_957 : vector<16xf32> to vector<16xf32>
    %add3A_959 = arith.constant 9.99999997E-7 : f32
    %add3A_960 = vector.broadcast %add3A_959 : f32 to vector<16xf32>
    %add3A_961 = arith.addf %get3A_955, %add3A_960 : vector<16xf32>
    %div3A_962 = arith.divf %get3A_958, %add3A_961 : vector<16xf32>
    %get3A_963 = arith.constant 368 : index
    %get3A_964 = tpu.vector_load %arg17[%get3A_963] {strides = array<i32>} : memref<512xf32, #tpu.memory_space<vmem>>, vector<16xf32>,
    %get3A_965 = vector.shape_cast %get3A_964 : vector<16xf32> to vector<16xf32>
    %get3A_966 = arith.constant 368 : index
    %get3A_967 = tpu.vector_load %arg18[%get3A_966] {strides = array<i32>} : memref<512xf32, #tpu.memory_space<vmem>>, vector<16xf32>,
    %get3A_968 = vector.shape_cast %get3A_967 : vector<16xf32> to vector<16xf32>
    %gt3A_969 = arith.cmpf ogt, %get3A_946, %get3A_943 : vector<16xf32>
    %select_n3A_970 = arith.select %gt3A_969, %get3A_946, %get3A_943 : vector<16xi1>, vector<16xf32>
    %select_n3A_971 = arith.select %gt3A_969, %div3A_962, %get3A_955 : vector<16xi1>, vector<16xf32>
    %gt3A_972 = arith.cmpf ogt, %get3A_949, %select_n3A_970 : vector<16xf32>
    %select_n3A_973 = arith.select %gt3A_972, %get3A_949, %select_n3A_970 : vector<16xi1>, vector<16xf32>
    %select_n3A_974 = arith.select %gt3A_972, %get3A_965, %select_n3A_971 : vector<16xi1>, vector<16xf32>
    %gt3A_975 = arith.cmpf ogt, %get3A_952, %select_n3A_973 : vector<16xf32>
    %select_n3A_976 = arith.select %gt3A_975, %get3A_952, %select_n3A_973 : vector<16xi1>, vector<16xf32>
    %select_n3A_977 = arith.select %gt3A_975, %get3A_968, %select_n3A_974 : vector<16xi1>, vector<16xf32>
    %swap3A_978 = arith.constant 368 : index
    %swap3A_979 = tpu.vector_load %arg19[%swap3A_978] {strides = array<i32>} : memref<512xf32, #tpu.memory_space<vmem>>, vector<16xf32>,
    %swap3A_980 = vector.shape_cast %swap3A_979 : vector<16xf32> to vector<16xf32>
    %swap3A_981 = vector.shape_cast %select_n3A_977 : vector<16xf32> to vector<16xf32>
    tpu.vector_store %arg19[%swap3A_978], %swap3A_981 {strides = array<i32>} : memref<512xf32, #tpu.memory_space<vmem>>, vector<16xf32>,
    %get3A_982 = arith.constant 384 : index
    %get3A_983 = tpu.vector_load %arg11[%get3A_982] {strides = array<i32>} : memref<512xf32, #tpu.memory_space<vmem>>, vector<16xf32>,
    %get3A_984 = vector.shape_cast %get3A_983 : vector<16xf32> to vector<16xf32>
    %get3A_985 = arith.constant 384 : index
    %get3A_986 = tpu.vector_load %arg12[%get3A_985] {strides = array<i32>} : memref<512xf32, #tpu.memory_space<vmem>>, vector<16xf32>,
    %get3A_987 = vector.shape_cast %get3A_986 : vector<16xf32> to vector<16xf32>
    %get3A_988 = arith.constant 384 : index
    %get3A_989 = tpu.vector_load %arg13[%get3A_988] {strides = array<i32>} : memref<512xf32, #tpu.memory_space<vmem>>, vector<16xf32>,
    %get3A_990 = vector.shape_cast %get3A_989 : vector<16xf32> to vector<16xf32>
    %get3A_991 = arith.constant 384 : index
    %get3A_992 = tpu.vector_load %arg14[%get3A_991] {strides = array<i32>} : memref<512xf32, #tpu.memory_space<vmem>>, vector<16xf32>,
    %get3A_993 = vector.shape_cast %get3A_992 : vector<16xf32> to vector<16xf32>
    %get3A_994 = arith.constant 384 : index
    %get3A_995 = tpu.vector_load %arg15[%get3A_994] {strides = array<i32>} : memref<512xf32, #tpu.memory_space<vmem>>, vector<16xf32>,
    %get3A_996 = vector.shape_cast %get3A_995 : vector<16xf32> to vector<16xf32>
    %get3A_997 = arith.constant 384 : index
    %get3A_998 = tpu.vector_load %arg16[%get3A_997] {strides = array<i32>} : memref<512xf32, #tpu.memory_space<vmem>>, vector<16xf32>,
    %get3A_999 = vector.shape_cast %get3A_998 : vector<16xf32> to vector<16xf32>
    %add3A_1000 = arith.constant 9.99999997E-7 : f32
    %add3A_1001 = vector.broadcast %add3A_1000 : f32 to vector<16xf32>
    %add3A_1002 = arith.addf %get3A_996, %add3A_1001 : vector<16xf32>
    %div3A_1003 = arith.divf %get3A_999, %add3A_1002 : vector<16xf32>
    %get3A_1004 = arith.constant 384 : index
    %get3A_1005 = tpu.vector_load %arg17[%get3A_1004] {strides = array<i32>} : memref<512xf32, #tpu.memory_space<vmem>>, vector<16xf32>,
    %get3A_1006 = vector.shape_cast %get3A_1005 : vector<16xf32> to vector<16xf32>
    %get3A_1007 = arith.constant 384 : index
    %get3A_1008 = tpu.vector_load %arg18[%get3A_1007] {strides = array<i32>} : memref<512xf32, #tpu.memory_space<vmem>>, vector<16xf32>,
    %get3A_1009 = vector.shape_cast %get3A_1008 : vector<16xf32> to vector<16xf32>
    %gt3A_1010 = arith.cmpf ogt, %get3A_987, %get3A_984 : vector<16xf32>
    %select_n3A_1011 = arith.select %gt3A_1010, %get3A_987, %get3A_984 : vector<16xi1>, vector<16xf32>
    %select_n3A_1012 = arith.select %gt3A_1010, %div3A_1003, %get3A_996 : vector<16xi1>, vector<16xf32>
    %gt3A_1013 = arith.cmpf ogt, %get3A_990, %select_n3A_1011 : vector<16xf32>
    %select_n3A_1014 = arith.select %gt3A_1013, %get3A_990, %select_n3A_1011 : vector<16xi1>, vector<16xf32>
    %select_n3A_1015 = arith.select %gt3A_1013, %get3A_1006, %select_n3A_1012 : vector<16xi1>, vector<16xf32>
    %gt3A_1016 = arith.cmpf ogt, %get3A_993, %select_n3A_1014 : vector<16xf32>
    %select_n3A_1017 = arith.select %gt3A_1016, %get3A_993, %select_n3A_1014 : vector<16xi1>, vector<16xf32>
    %select_n3A_1018 = arith.select %gt3A_1016, %get3A_1009, %select_n3A_1015 : vector<16xi1>, vector<16xf32>
    %swap3A_1019 = arith.constant 384 : index
    %swap3A_1020 = tpu.vector_load %arg19[%swap3A_1019] {strides = array<i32>} : memref<512xf32, #tpu.memory_space<vmem>>, vector<16xf32>,
    %swap3A_1021 = vector.shape_cast %swap3A_1020 : vector<16xf32> to vector<16xf32>
    %swap3A_1022 = vector.shape_cast %select_n3A_1018 : vector<16xf32> to vector<16xf32>
    tpu.vector_store %arg19[%swap3A_1019], %swap3A_1022 {strides = array<i32>} : memref<512xf32, #tpu.memory_space<vmem>>, vector<16xf32>,
    %get3A_1023 = arith.constant 400 : index
    %get3A_1024 = tpu.vector_load %arg11[%get3A_1023] {strides = array<i32>} : memref<512xf32, #tpu.memory_space<vmem>>, vector<16xf32>,
    %get3A_1025 = vector.shape_cast %get3A_1024 : vector<16xf32> to vector<16xf32>
    %get3A_1026 = arith.constant 400 : index
    %get3A_1027 = tpu.vector_load %arg12[%get3A_1026] {strides = array<i32>} : memref<512xf32, #tpu.memory_space<vmem>>, vector<16xf32>,
    %get3A_1028 = vector.shape_cast %get3A_1027 : vector<16xf32> to vector<16xf32>
    %get3A_1029 = arith.constant 400 : index
    %get3A_1030 = tpu.vector_load %arg13[%get3A_1029] {strides = array<i32>} : memref<512xf32, #tpu.memory_space<vmem>>, vector<16xf32>,
    %get3A_1031 = vector.shape_cast %get3A_1030 : vector<16xf32> to vector<16xf32>
    %get3A_1032 = arith.constant 400 : index
    %get3A_1033 = tpu.vector_load %arg14[%get3A_1032] {strides = array<i32>} : memref<512xf32, #tpu.memory_space<vmem>>, vector<16xf32>,
    %get3A_1034 = vector.shape_cast %get3A_1033 : vector<16xf32> to vector<16xf32>
    %get3A_1035 = arith.constant 400 : index
    %get3A_1036 = tpu.vector_load %arg15[%get3A_1035] {strides = array<i32>} : memref<512xf32, #tpu.memory_space<vmem>>, vector<16xf32>,
    %get3A_1037 = vector.shape_cast %get3A_1036 : vector<16xf32> to vector<16xf32>
    %get3A_1038 = arith.constant 400 : index
    %get3A_1039 = tpu.vector_load %arg16[%get3A_1038] {strides = array<i32>} : memref<512xf32, #tpu.memory_space<vmem>>, vector<16xf32>,
    %get3A_1040 = vector.shape_cast %get3A_1039 : vector<16xf32> to vector<16xf32>
    %add3A_1041 = arith.constant 9.99999997E-7 : f32
    %add3A_1042 = vector.broadcast %add3A_1041 : f32 to vector<16xf32>
    %add3A_1043 = arith.addf %get3A_1037, %add3A_1042 : vector<16xf32>
    %div3A_1044 = arith.divf %get3A_1040, %add3A_1043 : vector<16xf32>
    %get3A_1045 = arith.constant 400 : index
    %get3A_1046 = tpu.vector_load %arg17[%get3A_1045] {strides = array<i32>} : memref<512xf32, #tpu.memory_space<vmem>>, vector<16xf32>,
    %get3A_1047 = vector.shape_cast %get3A_1046 : vector<16xf32> to vector<16xf32>
    %get3A_1048 = arith.constant 400 : index
    %get3A_1049 = tpu.vector_load %arg18[%get3A_1048] {strides = array<i32>} : memref<512xf32, #tpu.memory_space<vmem>>, vector<16xf32>,
    %get3A_1050 = vector.shape_cast %get3A_1049 : vector<16xf32> to vector<16xf32>
    %gt3A_1051 = arith.cmpf ogt, %get3A_1028, %get3A_1025 : vector<16xf32>
    %select_n3A_1052 = arith.select %gt3A_1051, %get3A_1028, %get3A_1025 : vector<16xi1>, vector<16xf32>
    %select_n3A_1053 = arith.select %gt3A_1051, %div3A_1044, %get3A_1037 : vector<16xi1>, vector<16xf32>
    %gt3A_1054 = arith.cmpf ogt, %get3A_1031, %select_n3A_1052 : vector<16xf32>
    %select_n3A_1055 = arith.select %gt3A_1054, %get3A_1031, %select_n3A_1052 : vector<16xi1>, vector<16xf32>
    %select_n3A_1056 = arith.select %gt3A_1054, %get3A_1047, %select_n3A_1053 : vector<16xi1>, vector<16xf32>
    %gt3A_1057 = arith.cmpf ogt, %get3A_1034, %select_n3A_1055 : vector<16xf32>
    %select_n3A_1058 = arith.select %gt3A_1057, %get3A_1034, %select_n3A_1055 : vector<16xi1>, vector<16xf32>
    %select_n3A_1059 = arith.select %gt3A_1057, %get3A_1050, %select_n3A_1056 : vector<16xi1>, vector<16xf32>
    %swap3A_1060 = arith.constant 400 : index
    %swap3A_1061 = tpu.vector_load %arg19[%swap3A_1060] {strides = array<i32>} : memref<512xf32, #tpu.memory_space<vmem>>, vector<16xf32>,
    %swap3A_1062 = vector.shape_cast %swap3A_1061 : vector<16xf32> to vector<16xf32>
    %swap3A_1063 = vector.shape_cast %select_n3A_1059 : vector<16xf32> to vector<16xf32>
    tpu.vector_store %arg19[%swap3A_1060], %swap3A_1063 {strides = array<i32>} : memref<512xf32, #tpu.memory_space<vmem>>, vector<16xf32>,
    %get3A_1064 = arith.constant 416 : index
    %get3A_1065 = tpu.vector_load %arg11[%get3A_1064] {strides = array<i32>} : memref<512xf32, #tpu.memory_space<vmem>>, vector<16xf32>,
    %get3A_1066 = vector.shape_cast %get3A_1065 : vector<16xf32> to vector<16xf32>
    %get3A_1067 = arith.constant 416 : index
    %get3A_1068 = tpu.vector_load %arg12[%get3A_1067] {strides = array<i32>} : memref<512xf32, #tpu.memory_space<vmem>>, vector<16xf32>,
    %get3A_1069 = vector.shape_cast %get3A_1068 : vector<16xf32> to vector<16xf32>
    %get3A_1070 = arith.constant 416 : index
    %get3A_1071 = tpu.vector_load %arg13[%get3A_1070] {strides = array<i32>} : memref<512xf32, #tpu.memory_space<vmem>>, vector<16xf32>,
    %get3A_1072 = vector.shape_cast %get3A_1071 : vector<16xf32> to vector<16xf32>
    %get3A_1073 = arith.constant 416 : index
    %get3A_1074 = tpu.vector_load %arg14[%get3A_1073] {strides = array<i32>} : memref<512xf32, #tpu.memory_space<vmem>>, vector<16xf32>,
    %get3A_1075 = vector.shape_cast %get3A_1074 : vector<16xf32> to vector<16xf32>
    %get3A_1076 = arith.constant 416 : index
    %get3A_1077 = tpu.vector_load %arg15[%get3A_1076] {strides = array<i32>} : memref<512xf32, #tpu.memory_space<vmem>>, vector<16xf32>,
    %get3A_1078 = vector.shape_cast %get3A_1077 : vector<16xf32> to vector<16xf32>
    %get3A_1079 = arith.constant 416 : index
    %get3A_1080 = tpu.vector_load %arg16[%get3A_1079] {strides = array<i32>} : memref<512xf32, #tpu.memory_space<vmem>>, vector<16xf32>,
    %get3A_1081 = vector.shape_cast %get3A_1080 : vector<16xf32> to vector<16xf32>
    %add3A_1082 = arith.constant 9.99999997E-7 : f32
    %add3A_1083 = vector.broadcast %add3A_1082 : f32 to vector<16xf32>
    %add3A_1084 = arith.addf %get3A_1078, %add3A_1083 : vector<16xf32>
    %div3A_1085 = arith.divf %get3A_1081, %add3A_1084 : vector<16xf32>
    %get3A_1086 = arith.constant 416 : index
    %get3A_1087 = tpu.vector_load %arg17[%get3A_1086] {strides = array<i32>} : memref<512xf32, #tpu.memory_space<vmem>>, vector<16xf32>,
    %get3A_1088 = vector.shape_cast %get3A_1087 : vector<16xf32> to vector<16xf32>
    %get3A_1089 = arith.constant 416 : index
    %get3A_1090 = tpu.vector_load %arg18[%get3A_1089] {strides = array<i32>} : memref<512xf32, #tpu.memory_space<vmem>>, vector<16xf32>,
    %get3A_1091 = vector.shape_cast %get3A_1090 : vector<16xf32> to vector<16xf32>
    %gt3A_1092 = arith.cmpf ogt, %get3A_1069, %get3A_1066 : vector<16xf32>
    %select_n3A_1093 = arith.select %gt3A_1092, %get3A_1069, %get3A_1066 : vector<16xi1>, vector<16xf32>
    %select_n3A_1094 = arith.select %gt3A_1092, %div3A_1085, %get3A_1078 : vector<16xi1>, vector<16xf32>
    %gt3A_1095 = arith.cmpf ogt, %get3A_1072, %select_n3A_1093 : vector<16xf32>
    %select_n3A_1096 = arith.select %gt3A_1095, %get3A_1072, %select_n3A_1093 : vector<16xi1>, vector<16xf32>
    %select_n3A_1097 = arith.select %gt3A_1095, %get3A_1088, %select_n3A_1094 : vector<16xi1>, vector<16xf32>
    %gt3A_1098 = arith.cmpf ogt, %get3A_1075, %select_n3A_1096 : vector<16xf32>
    %select_n3A_1099 = arith.select %gt3A_1098, %get3A_1075, %select_n3A_1096 : vector<16xi1>, vector<16xf32>
    %select_n3A_1100 = arith.select %gt3A_1098, %get3A_1091, %select_n3A_1097 : vector<16xi1>, vector<16xf32>
    %swap3A_1101 = arith.constant 416 : index
    %swap3A_1102 = tpu.vector_load %arg19[%swap3A_1101] {strides = array<i32>} : memref<512xf32, #tpu.memory_space<vmem>>, vector<16xf32>,
    %swap3A_1103 = vector.shape_cast %swap3A_1102 : vector<16xf32> to vector<16xf32>
    %swap3A_1104 = vector.shape_cast %select_n3A_1100 : vector<16xf32> to vector<16xf32>
    tpu.vector_store %arg19[%swap3A_1101], %swap3A_1104 {strides = array<i32>} : memref<512xf32, #tpu.memory_space<vmem>>, vector<16xf32>,
    %get3A_1105 = arith.constant 432 : index
    %get3A_1106 = tpu.vector_load %arg11[%get3A_1105] {strides = array<i32>} : memref<512xf32, #tpu.memory_space<vmem>>, vector<16xf32>,
    %get3A_1107 = vector.shape_cast %get3A_1106 : vector<16xf32> to vector<16xf32>
    %get3A_1108 = arith.constant 432 : index
    %get3A_1109 = tpu.vector_load %arg12[%get3A_1108] {strides = array<i32>} : memref<512xf32, #tpu.memory_space<vmem>>, vector<16xf32>,
    %get3A_1110 = vector.shape_cast %get3A_1109 : vector<16xf32> to vector<16xf32>
    %get3A_1111 = arith.constant 432 : index
    %get3A_1112 = tpu.vector_load %arg13[%get3A_1111] {strides = array<i32>} : memref<512xf32, #tpu.memory_space<vmem>>, vector<16xf32>,
    %get3A_1113 = vector.shape_cast %get3A_1112 : vector<16xf32> to vector<16xf32>
    %get3A_1114 = arith.constant 432 : index
    %get3A_1115 = tpu.vector_load %arg14[%get3A_1114] {strides = array<i32>} : memref<512xf32, #tpu.memory_space<vmem>>, vector<16xf32>,
    %get3A_1116 = vector.shape_cast %get3A_1115 : vector<16xf32> to vector<16xf32>
    %get3A_1117 = arith.constant 432 : index
    %get3A_1118 = tpu.vector_load %arg15[%get3A_1117] {strides = array<i32>} : memref<512xf32, #tpu.memory_space<vmem>>, vector<16xf32>,
    %get3A_1119 = vector.shape_cast %get3A_1118 : vector<16xf32> to vector<16xf32>
    %get3A_1120 = arith.constant 432 : index
    %get3A_1121 = tpu.vector_load %arg16[%get3A_1120] {strides = array<i32>} : memref<512xf32, #tpu.memory_space<vmem>>, vector<16xf32>,
    %get3A_1122 = vector.shape_cast %get3A_1121 : vector<16xf32> to vector<16xf32>
    %add3A_1123 = arith.constant 9.99999997E-7 : f32
    %add3A_1124 = vector.broadcast %add3A_1123 : f32 to vector<16xf32>
    %add3A_1125 = arith.addf %get3A_1119, %add3A_1124 : vector<16xf32>
    %div3A_1126 = arith.divf %get3A_1122, %add3A_1125 : vector<16xf32>
    %get3A_1127 = arith.constant 432 : index
    %get3A_1128 = tpu.vector_load %arg17[%get3A_1127] {strides = array<i32>} : memref<512xf32, #tpu.memory_space<vmem>>, vector<16xf32>,
    %get3A_1129 = vector.shape_cast %get3A_1128 : vector<16xf32> to vector<16xf32>
    %get3A_1130 = arith.constant 432 : index
    %get3A_1131 = tpu.vector_load %arg18[%get3A_1130] {strides = array<i32>} : memref<512xf32, #tpu.memory_space<vmem>>, vector<16xf32>,
    %get3A_1132 = vector.shape_cast %get3A_1131 : vector<16xf32> to vector<16xf32>
    %gt3A_1133 = arith.cmpf ogt, %get3A_1110, %get3A_1107 : vector<16xf32>
    %select_n3A_1134 = arith.select %gt3A_1133, %get3A_1110, %get3A_1107 : vector<16xi1>, vector<16xf32>
    %select_n3A_1135 = arith.select %gt3A_1133, %div3A_1126, %get3A_1119 : vector<16xi1>, vector<16xf32>
    %gt3A_1136 = arith.cmpf ogt, %get3A_1113, %select_n3A_1134 : vector<16xf32>
    %select_n3A_1137 = arith.select %gt3A_1136, %get3A_1113, %select_n3A_1134 : vector<16xi1>, vector<16xf32>
    %select_n3A_1138 = arith.select %gt3A_1136, %get3A_1129, %select_n3A_1135 : vector<16xi1>, vector<16xf32>
    %gt3A_1139 = arith.cmpf ogt, %get3A_1116, %select_n3A_1137 : vector<16xf32>
    %select_n3A_1140 = arith.select %gt3A_1139, %get3A_1116, %select_n3A_1137 : vector<16xi1>, vector<16xf32>
    %select_n3A_1141 = arith.select %gt3A_1139, %get3A_1132, %select_n3A_1138 : vector<16xi1>, vector<16xf32>
    %swap3A_1142 = arith.constant 432 : index
    %swap3A_1143 = tpu.vector_load %arg19[%swap3A_1142] {strides = array<i32>} : memref<512xf32, #tpu.memory_space<vmem>>, vector<16xf32>,
    %swap3A_1144 = vector.shape_cast %swap3A_1143 : vector<16xf32> to vector<16xf32>
    %swap3A_1145 = vector.shape_cast %select_n3A_1141 : vector<16xf32> to vector<16xf32>
    tpu.vector_store %arg19[%swap3A_1142], %swap3A_1145 {strides = array<i32>} : memref<512xf32, #tpu.memory_space<vmem>>, vector<16xf32>,
    %get3A_1146 = arith.constant 448 : index
    %get3A_1147 = tpu.vector_load %arg11[%get3A_1146] {strides = array<i32>} : memref<512xf32, #tpu.memory_space<vmem>>, vector<16xf32>,
    %get3A_1148 = vector.shape_cast %get3A_1147 : vector<16xf32> to vector<16xf32>
    %get3A_1149 = arith.constant 448 : index
    %get3A_1150 = tpu.vector_load %arg12[%get3A_1149] {strides = array<i32>} : memref<512xf32, #tpu.memory_space<vmem>>, vector<16xf32>,
    %get3A_1151 = vector.shape_cast %get3A_1150 : vector<16xf32> to vector<16xf32>
    %get3A_1152 = arith.constant 448 : index
    %get3A_1153 = tpu.vector_load %arg13[%get3A_1152] {strides = array<i32>} : memref<512xf32, #tpu.memory_space<vmem>>, vector<16xf32>,
    %get3A_1154 = vector.shape_cast %get3A_1153 : vector<16xf32> to vector<16xf32>
    %get3A_1155 = arith.constant 448 : index
    %get3A_1156 = tpu.vector_load %arg14[%get3A_1155] {strides = array<i32>} : memref<512xf32, #tpu.memory_space<vmem>>, vector<16xf32>,
    %get3A_1157 = vector.shape_cast %get3A_1156 : vector<16xf32> to vector<16xf32>
    %get3A_1158 = arith.constant 448 : index
    %get3A_1159 = tpu.vector_load %arg15[%get3A_1158] {strides = array<i32>} : memref<512xf32, #tpu.memory_space<vmem>>, vector<16xf32>,
    %get3A_1160 = vector.shape_cast %get3A_1159 : vector<16xf32> to vector<16xf32>
    %get3A_1161 = arith.constant 448 : index
    %get3A_1162 = tpu.vector_load %arg16[%get3A_1161] {strides = array<i32>} : memref<512xf32, #tpu.memory_space<vmem>>, vector<16xf32>,
    %get3A_1163 = vector.shape_cast %get3A_1162 : vector<16xf32> to vector<16xf32>
    %add3A_1164 = arith.constant 9.99999997E-7 : f32
    %add3A_1165 = vector.broadcast %add3A_1164 : f32 to vector<16xf32>
    %add3A_1166 = arith.addf %get3A_1160, %add3A_1165 : vector<16xf32>
    %div3A_1167 = arith.divf %get3A_1163, %add3A_1166 : vector<16xf32>
    %get3A_1168 = arith.constant 448 : index
    %get3A_1169 = tpu.vector_load %arg17[%get3A_1168] {strides = array<i32>} : memref<512xf32, #tpu.memory_space<vmem>>, vector<16xf32>,
    %get3A_1170 = vector.shape_cast %get3A_1169 : vector<16xf32> to vector<16xf32>
    %get3A_1171 = arith.constant 448 : index
    %get3A_1172 = tpu.vector_load %arg18[%get3A_1171] {strides = array<i32>} : memref<512xf32, #tpu.memory_space<vmem>>, vector<16xf32>,
    %get3A_1173 = vector.shape_cast %get3A_1172 : vector<16xf32> to vector<16xf32>
    %gt3A_1174 = arith.cmpf ogt, %get3A_1151, %get3A_1148 : vector<16xf32>
    %select_n3A_1175 = arith.select %gt3A_1174, %get3A_1151, %get3A_1148 : vector<16xi1>, vector<16xf32>
    %select_n3A_1176 = arith.select %gt3A_1174, %div3A_1167, %get3A_1160 : vector<16xi1>, vector<16xf32>
    %gt3A_1177 = arith.cmpf ogt, %get3A_1154, %select_n3A_1175 : vector<16xf32>
    %select_n3A_1178 = arith.select %gt3A_1177, %get3A_1154, %select_n3A_1175 : vector<16xi1>, vector<16xf32>
    %select_n3A_1179 = arith.select %gt3A_1177, %get3A_1170, %select_n3A_1176 : vector<16xi1>, vector<16xf32>
    %gt3A_1180 = arith.cmpf ogt, %get3A_1157, %select_n3A_1178 : vector<16xf32>
    %select_n3A_1181 = arith.select %gt3A_1180, %get3A_1157, %select_n3A_1178 : vector<16xi1>, vector<16xf32>
    %select_n3A_1182 = arith.select %gt3A_1180, %get3A_1173, %select_n3A_1179 : vector<16xi1>, vector<16xf32>
    %swap3A_1183 = arith.constant 448 : index
    %swap3A_1184 = tpu.vector_load %arg19[%swap3A_1183] {strides = array<i32>} : memref<512xf32, #tpu.memory_space<vmem>>, vector<16xf32>,
    %swap3A_1185 = vector.shape_cast %swap3A_1184 : vector<16xf32> to vector<16xf32>
    %swap3A_1186 = vector.shape_cast %select_n3A_1182 : vector<16xf32> to vector<16xf32>
    tpu.vector_store %arg19[%swap3A_1183], %swap3A_1186 {strides = array<i32>} : memref<512xf32, #tpu.memory_space<vmem>>, vector<16xf32>,
    %get3A_1187 = arith.constant 464 : index
    %get3A_1188 = tpu.vector_load %arg11[%get3A_1187] {strides = array<i32>} : memref<512xf32, #tpu.memory_space<vmem>>, vector<16xf32>,
    %get3A_1189 = vector.shape_cast %get3A_1188 : vector<16xf32> to vector<16xf32>
    %get3A_1190 = arith.constant 464 : index
    %get3A_1191 = tpu.vector_load %arg12[%get3A_1190] {strides = array<i32>} : memref<512xf32, #tpu.memory_space<vmem>>, vector<16xf32>,
    %get3A_1192 = vector.shape_cast %get3A_1191 : vector<16xf32> to vector<16xf32>
    %get3A_1193 = arith.constant 464 : index
    %get3A_1194 = tpu.vector_load %arg13[%get3A_1193] {strides = array<i32>} : memref<512xf32, #tpu.memory_space<vmem>>, vector<16xf32>,
    %get3A_1195 = vector.shape_cast %get3A_1194 : vector<16xf32> to vector<16xf32>
    %get3A_1196 = arith.constant 464 : index
    %get3A_1197 = tpu.vector_load %arg14[%get3A_1196] {strides = array<i32>} : memref<512xf32, #tpu.memory_space<vmem>>, vector<16xf32>,
    %get3A_1198 = vector.shape_cast %get3A_1197 : vector<16xf32> to vector<16xf32>
    %get3A_1199 = arith.constant 464 : index
    %get3A_1200 = tpu.vector_load %arg15[%get3A_1199] {strides = array<i32>} : memref<512xf32, #tpu.memory_space<vmem>>, vector<16xf32>,
    %get3A_1201 = vector.shape_cast %get3A_1200 : vector<16xf32> to vector<16xf32>
    %get3A_1202 = arith.constant 464 : index
    %get3A_1203 = tpu.vector_load %arg16[%get3A_1202] {strides = array<i32>} : memref<512xf32, #tpu.memory_space<vmem>>, vector<16xf32>,
    %get3A_1204 = vector.shape_cast %get3A_1203 : vector<16xf32> to vector<16xf32>
    %add3A_1205 = arith.constant 9.99999997E-7 : f32
    %add3A_1206 = vector.broadcast %add3A_1205 : f32 to vector<16xf32>
    %add3A_1207 = arith.addf %get3A_1201, %add3A_1206 : vector<16xf32>
    %div3A_1208 = arith.divf %get3A_1204, %add3A_1207 : vector<16xf32>
    %get3A_1209 = arith.constant 464 : index
    %get3A_1210 = tpu.vector_load %arg17[%get3A_1209] {strides = array<i32>} : memref<512xf32, #tpu.memory_space<vmem>>, vector<16xf32>,
    %get3A_1211 = vector.shape_cast %get3A_1210 : vector<16xf32> to vector<16xf32>
    %get3A_1212 = arith.constant 464 : index
    %get3A_1213 = tpu.vector_load %arg18[%get3A_1212] {strides = array<i32>} : memref<512xf32, #tpu.memory_space<vmem>>, vector<16xf32>,
    %get3A_1214 = vector.shape_cast %get3A_1213 : vector<16xf32> to vector<16xf32>
    %gt3A_1215 = arith.cmpf ogt, %get3A_1192, %get3A_1189 : vector<16xf32>
    %select_n3A_1216 = arith.select %gt3A_1215, %get3A_1192, %get3A_1189 : vector<16xi1>, vector<16xf32>
    %select_n3A_1217 = arith.select %gt3A_1215, %div3A_1208, %get3A_1201 : vector<16xi1>, vector<16xf32>
    %gt3A_1218 = arith.cmpf ogt, %get3A_1195, %select_n3A_1216 : vector<16xf32>
    %select_n3A_1219 = arith.select %gt3A_1218, %get3A_1195, %select_n3A_1216 : vector<16xi1>, vector<16xf32>
    %select_n3A_1220 = arith.select %gt3A_1218, %get3A_1211, %select_n3A_1217 : vector<16xi1>, vector<16xf32>
    %gt3A_1221 = arith.cmpf ogt, %get3A_1198, %select_n3A_1219 : vector<16xf32>
    %select_n3A_1222 = arith.select %gt3A_1221, %get3A_1198, %select_n3A_1219 : vector<16xi1>, vector<16xf32>
    %select_n3A_1223 = arith.select %gt3A_1221, %get3A_1214, %select_n3A_1220 : vector<16xi1>, vector<16xf32>
    %swap3A_1224 = arith.constant 464 : index
    %swap3A_1225 = tpu.vector_load %arg19[%swap3A_1224] {strides = array<i32>} : memref<512xf32, #tpu.memory_space<vmem>>, vector<16xf32>,
    %swap3A_1226 = vector.shape_cast %swap3A_1225 : vector<16xf32> to vector<16xf32>
    %swap3A_1227 = vector.shape_cast %select_n3A_1223 : vector<16xf32> to vector<16xf32>
    tpu.vector_store %arg19[%swap3A_1224], %swap3A_1227 {strides = array<i32>} : memref<512xf32, #tpu.memory_space<vmem>>, vector<16xf32>,
    %get3A_1228 = arith.constant 480 : index
    %get3A_1229 = tpu.vector_load %arg11[%get3A_1228] {strides = array<i32>} : memref<512xf32, #tpu.memory_space<vmem>>, vector<16xf32>,
    %get3A_1230 = vector.shape_cast %get3A_1229 : vector<16xf32> to vector<16xf32>
    %get3A_1231 = arith.constant 480 : index
    %get3A_1232 = tpu.vector_load %arg12[%get3A_1231] {strides = array<i32>} : memref<512xf32, #tpu.memory_space<vmem>>, vector<16xf32>,
    %get3A_1233 = vector.shape_cast %get3A_1232 : vector<16xf32> to vector<16xf32>
    %get3A_1234 = arith.constant 480 : index
    %get3A_1235 = tpu.vector_load %arg13[%get3A_1234] {strides = array<i32>} : memref<512xf32, #tpu.memory_space<vmem>>, vector<16xf32>,
    %get3A_1236 = vector.shape_cast %get3A_1235 : vector<16xf32> to vector<16xf32>
    %get3A_1237 = arith.constant 480 : index
    %get3A_1238 = tpu.vector_load %arg14[%get3A_1237] {strides = array<i32>} : memref<512xf32, #tpu.memory_space<vmem>>, vector<16xf32>,
    %get3A_1239 = vector.shape_cast %get3A_1238 : vector<16xf32> to vector<16xf32>
    %get3A_1240 = arith.constant 480 : index
    %get3A_1241 = tpu.vector_load %arg15[%get3A_1240] {strides = array<i32>} : memref<512xf32, #tpu.memory_space<vmem>>, vector<16xf32>,
    %get3A_1242 = vector.shape_cast %get3A_1241 : vector<16xf32> to vector<16xf32>
    %get3A_1243 = arith.constant 480 : index
    %get3A_1244 = tpu.vector_load %arg16[%get3A_1243] {strides = array<i32>} : memref<512xf32, #tpu.memory_space<vmem>>, vector<16xf32>,
    %get3A_1245 = vector.shape_cast %get3A_1244 : vector<16xf32> to vector<16xf32>
    %add3A_1246 = arith.constant 9.99999997E-7 : f32
    %add3A_1247 = vector.broadcast %add3A_1246 : f32 to vector<16xf32>
    %add3A_1248 = arith.addf %get3A_1242, %add3A_1247 : vector<16xf32>
    %div3A_1249 = arith.divf %get3A_1245, %add3A_1248 : vector<16xf32>
    %get3A_1250 = arith.constant 480 : index
    %get3A_1251 = tpu.vector_load %arg17[%get3A_1250] {strides = array<i32>} : memref<512xf32, #tpu.memory_space<vmem>>, vector<16xf32>,
    %get3A_1252 = vector.shape_cast %get3A_1251 : vector<16xf32> to vector<16xf32>
    %get3A_1253 = arith.constant 480 : index
    %get3A_1254 = tpu.vector_load %arg18[%get3A_1253] {strides = array<i32>} : memref<512xf32, #tpu.memory_space<vmem>>, vector<16xf32>,
    %get3A_1255 = vector.shape_cast %get3A_1254 : vector<16xf32> to vector<16xf32>
    %gt3A_1256 = arith.cmpf ogt, %get3A_1233, %get3A_1230 : vector<16xf32>
    %select_n3A_1257 = arith.select %gt3A_1256, %get3A_1233, %get3A_1230 : vector<16xi1>, vector<16xf32>
    %select_n3A_1258 = arith.select %gt3A_1256, %div3A_1249, %get3A_1242 : vector<16xi1>, vector<16xf32>
    %gt3A_1259 = arith.cmpf ogt, %get3A_1236, %select_n3A_1257 : vector<16xf32>
    %select_n3A_1260 = arith.select %gt3A_1259, %get3A_1236, %select_n3A_1257 : vector<16xi1>, vector<16xf32>
    %select_n3A_1261 = arith.select %gt3A_1259, %get3A_1252, %select_n3A_1258 : vector<16xi1>, vector<16xf32>
    %gt3A_1262 = arith.cmpf ogt, %get3A_1239, %select_n3A_1260 : vector<16xf32>
    %select_n3A_1263 = arith.select %gt3A_1262, %get3A_1239, %select_n3A_1260 : vector<16xi1>, vector<16xf32>
    %select_n3A_1264 = arith.select %gt3A_1262, %get3A_1255, %select_n3A_1261 : vector<16xi1>, vector<16xf32>
    %swap3A_1265 = arith.constant 480 : index
    %swap3A_1266 = tpu.vector_load %arg19[%swap3A_1265] {strides = array<i32>} : memref<512xf32, #tpu.memory_space<vmem>>, vector<16xf32>,
    %swap3A_1267 = vector.shape_cast %swap3A_1266 : vector<16xf32> to vector<16xf32>
    %swap3A_1268 = vector.shape_cast %select_n3A_1264 : vector<16xf32> to vector<16xf32>
    tpu.vector_store %arg19[%swap3A_1265], %swap3A_1268 {strides = array<i32>} : memref<512xf32, #tpu.memory_space<vmem>>, vector<16xf32>,
    %get3A_1269 = arith.constant 496 : index
    %get3A_1270 = tpu.vector_load %arg11[%get3A_1269] {strides = array<i32>} : memref<512xf32, #tpu.memory_space<vmem>>, vector<16xf32>,
    %get3A_1271 = vector.shape_cast %get3A_1270 : vector<16xf32> to vector<16xf32>
    %get3A_1272 = arith.constant 496 : index
    %get3A_1273 = tpu.vector_load %arg12[%get3A_1272] {strides = array<i32>} : memref<512xf32, #tpu.memory_space<vmem>>, vector<16xf32>,
    %get3A_1274 = vector.shape_cast %get3A_1273 : vector<16xf32> to vector<16xf32>
    %get3A_1275 = arith.constant 496 : index
    %get3A_1276 = tpu.vector_load %arg13[%get3A_1275] {strides = array<i32>} : memref<512xf32, #tpu.memory_space<vmem>>, vector<16xf32>,
    %get3A_1277 = vector.shape_cast %get3A_1276 : vector<16xf32> to vector<16xf32>
    %get3A_1278 = arith.constant 496 : index
    %get3A_1279 = tpu.vector_load %arg14[%get3A_1278] {strides = array<i32>} : memref<512xf32, #tpu.memory_space<vmem>>, vector<16xf32>,
    %get3A_1280 = vector.shape_cast %get3A_1279 : vector<16xf32> to vector<16xf32>
    %get3A_1281 = arith.constant 496 : index
    %get3A_1282 = tpu.vector_load %arg15[%get3A_1281] {strides = array<i32>} : memref<512xf32, #tpu.memory_space<vmem>>, vector<16xf32>,
    %get3A_1283 = vector.shape_cast %get3A_1282 : vector<16xf32> to vector<16xf32>
    %get3A_1284 = arith.constant 496 : index
    %get3A_1285 = tpu.vector_load %arg16[%get3A_1284] {strides = array<i32>} : memref<512xf32, #tpu.memory_space<vmem>>, vector<16xf32>,
    %get3A_1286 = vector.shape_cast %get3A_1285 : vector<16xf32> to vector<16xf32>
    %add3A_1287 = arith.constant 9.99999997E-7 : f32
    %add3A_1288 = vector.broadcast %add3A_1287 : f32 to vector<16xf32>
    %add3A_1289 = arith.addf %get3A_1283, %add3A_1288 : vector<16xf32>
    %div3A_1290 = arith.divf %get3A_1286, %add3A_1289 : vector<16xf32>
    %get3A_1291 = arith.constant 496 : index
    %get3A_1292 = tpu.vector_load %arg17[%get3A_1291] {strides = array<i32>} : memref<512xf32, #tpu.memory_space<vmem>>, vector<16xf32>,
    %get3A_1293 = vector.shape_cast %get3A_1292 : vector<16xf32> to vector<16xf32>
    %get3A_1294 = arith.constant 496 : index
    %get3A_1295 = tpu.vector_load %arg18[%get3A_1294] {strides = array<i32>} : memref<512xf32, #tpu.memory_space<vmem>>, vector<16xf32>,
    %get3A_1296 = vector.shape_cast %get3A_1295 : vector<16xf32> to vector<16xf32>
    %gt3A_1297 = arith.cmpf ogt, %get3A_1274, %get3A_1271 : vector<16xf32>
    %select_n3A_1298 = arith.select %gt3A_1297, %get3A_1274, %get3A_1271 : vector<16xi1>, vector<16xf32>
    %select_n3A_1299 = arith.select %gt3A_1297, %div3A_1290, %get3A_1283 : vector<16xi1>, vector<16xf32>
    %gt3A_1300 = arith.cmpf ogt, %get3A_1277, %select_n3A_1298 : vector<16xf32>
    %select_n3A_1301 = arith.select %gt3A_1300, %get3A_1277, %select_n3A_1298 : vector<16xi1>, vector<16xf32>
    %select_n3A_1302 = arith.select %gt3A_1300, %get3A_1293, %select_n3A_1299 : vector<16xi1>, vector<16xf32>
    %gt3A_1303 = arith.cmpf ogt, %get3A_1280, %select_n3A_1301 : vector<16xf32>
    %select_n3A_1304 = arith.select %gt3A_1303, %get3A_1280, %select_n3A_1301 : vector<16xi1>, vector<16xf32>
    %select_n3A_1305 = arith.select %gt3A_1303, %get3A_1296, %select_n3A_1302 : vector<16xi1>, vector<16xf32>
    %swap3A_1306 = arith.constant 496 : index
    %swap3A_1307 = tpu.vector_load %arg19[%swap3A_1306] {strides = array<i32>} : memref<512xf32, #tpu.memory_space<vmem>>, vector<16xf32>,
    %swap3A_1308 = vector.shape_cast %swap3A_1307 : vector<16xf32> to vector<16xf32>
    %swap3A_1309 = vector.shape_cast %select_n3A_1305 : vector<16xf32> to vector<16xf32>
    tpu.vector_store %arg19[%swap3A_1306], %swap3A_1309 {strides = array<i32>} : memref<512xf32, #tpu.memory_space<vmem>>, vector<16xf32>,
    "tpu.region"() ({
      %run_scoped3A = tpu.sem_alloc : memref<!tpu.dma_semaphore, #tpu.memory_space<semaphore_mem>>
      %dma_start3A = tpu.memref_slice %arg10[%mul3A_2] : memref<16384xf32, #tpu.memory_space<hbm>> -> memref<512xf32, #tpu.memory_space<hbm>>
      %dma_start3A_1310 = tpu.memref_slice %arg10[%mul3A_2] : memref<16384xf32, #tpu.memory_space<hbm>> -> memref<512xf32, #tpu.memory_space<hbm>>
      tpu.enqueue_dma source(%arg19 : memref<512xf32, #tpu.memory_space<vmem>>) target(%dma_start3A_1310 : memref<512xf32, #tpu.memory_space<hbm>>) target_semaphore(%run_scoped3A : memref<!tpu.dma_semaphore, #tpu.memory_space<semaphore_mem>>)
      %dma_wait3A = tpu.memref_slice %arg10[%mul3A_2] : memref<16384xf32, #tpu.memory_space<hbm>> -> memref<512xf32, #tpu.memory_space<hbm>>
      %dma_wait3A_1311 = tpu.memref_slice %arg10[%mul3A_2] : memref<16384xf32, #tpu.memory_space<hbm>> -> memref<512xf32, #tpu.memory_space<hbm>>
      tpu.wait_dma2 semaphore(%run_scoped3A : memref<!tpu.dma_semaphore, #tpu.memory_space<semaphore_mem>>) src(%arg19 : memref<512xf32, #tpu.memory_space<vmem>>) dst(%dma_wait3A_1311 : memref<512xf32, #tpu.memory_space<hbm>>)
      tpu.yield
    }) : () -> ()
    return
  }
}

module attributes {stable_mosaic.version = 14 : i64} {
  func.func @_tc_body(%arg0: i32, %arg1: memref<1024x2048xf32, #tpu.memory_space<vmem>>, %arg2: memref<2048x5xf32, #tpu.memory_space<vmem>>, %arg3: memref<1x4xf32, #tpu.memory_space<vmem>>, %arg4: memref<1024x4xf32, #tpu.memory_space<vmem>>, %arg5: memref<2048x1xbf16, #tpu.memory_space<vmem>>, %arg6: memref<1024x1xf32, #tpu.memory_space<vmem>>, %arg7: memref<1024x1xf32, #tpu.memory_space<vmem>>, %arg8: memref<1024x1xf32, #tpu.memory_space<vmem>>, %arg9: memref<1024x1xf32, #tpu.memory_space<vmem>>, %arg10: memref<1024x1xf32, #tpu.memory_space<vmem>>, %arg11: memref<1024x1xf32, #tpu.memory_space<vmem>>, %arg12: memref<1024x1xf32, #tpu.memory_space<vmem>>, %arg13: memref<1024x1xf32, #tpu.memory_space<vmem>>) attributes {dimension_semantics = [#tpu.dimension_semantics<arbitrary>], iteration_bounds = array<i64: 16>, scalar_prefetch = 0 : i64, scratch_operands = 0 : i64, tpu.core_type = #tpu.core_type<tc>, window_params = [{transform_indices = @transform_0, window_bounds = array<i64: 1024, 2048>}, {pipeline_mode = #tpu.pipeline_mode<synchronous>, transform_indices = @transform_1, window_bounds = array<i64: 2048, 5>}, {pipeline_mode = #tpu.pipeline_mode<synchronous>, transform_indices = @transform_2, window_bounds = array<i64: 1, 4>}, {transform_indices = @transform_3, window_bounds = array<i64: 1024, 4>}, {pipeline_mode = #tpu.pipeline_mode<synchronous>, transform_indices = @transform_4, window_bounds = array<i64: 2048, 1>}, {transform_indices = @transform_5, window_bounds = array<i64: 1024, 1>}, {transform_indices = @transform_6, window_bounds = array<i64: 1024, 1>}, {transform_indices = @transform_7, window_bounds = array<i64: 1024, 1>}, {transform_indices = @transform_8, window_bounds = array<i64: 1024, 1>}, {transform_indices = @transform_9, window_bounds = array<i64: 1024, 1>}, {transform_indices = @transform_10, window_bounds = array<i64: 1024, 1>}, {transform_indices = @transform_11, window_bounds = array<i64: 1024, 1>}, {transform_indices = @transform_12, window_bounds = array<i64: 1024, 1>}]} {
    %get3A = arith.constant 0 : index
    %get3A_0 = arith.constant 0 : index
    %get3A_1 = vector.load %arg1[%get3A, %get3A_0] : memref<1024x2048xf32, #tpu.memory_space<vmem>>, vector<1024x2048xf32>
    %get3A_2 = arith.constant 0 : index
    %get3A_3 = arith.constant 0 : index
    %get3A_4 = vector.load %arg2[%get3A_2, %get3A_3] : memref<2048x5xf32, #tpu.memory_space<vmem>>, vector<2048x5xf32>
    %dot_general3A = arith.constant dense<0.000000e+00> : vector<1024x5xf32>
    %dot_general3A_5 = tpu.matmul %get3A_1, %get3A_4, %dot_general3A {dimension_numbers = #tpu.dot_dimension_numbers<[1], [0], [0], [1], [0, 0, 1, 1], [], []>, transpose_lhs_hint = false} : vector<1024x2048xf32>, vector<2048x5xf32>, vector<1024x5xf32> -> vector<1024x5xf32>
    %slice3A = vector.extract_strided_slice %dot_general3A_5 {offsets = [0, 0], sizes = [1024, 4], strides = [1, 1]} : vector<1024x5xf32> to vector<1024x4xf32>
    %slice3A_6 = vector.extract_strided_slice %dot_general3A_5 {offsets = [0, 4], sizes = [1024, 1], strides = [1, 1]} : vector<1024x5xf32> to vector<1024x1xf32>
    %get3A_7 = arith.constant 0 : index
    %get3A_8 = arith.constant 0 : index
    %get3A_9 = vector.load %arg3[%get3A_7, %get3A_8] : memref<1x4xf32, #tpu.memory_space<vmem>>, vector<1x4xf32>
    %add3A = vector.broadcast %get3A_9 : vector<1x4xf32> to vector<1024x4xf32>
    %add3A_10 = arith.addf %slice3A, %add3A : vector<1024x4xf32>
    %get3A_11 = arith.constant 0 : index
    %get3A_12 = arith.constant 0 : index
    %get3A_13 = vector.load %arg4[%get3A_11, %get3A_12] : memref<1024x4xf32, #tpu.memory_space<vmem>>, vector<1024x4xf32>
    %add3A_14 = arith.addf %add3A_10, %get3A_13 : vector<1024x4xf32>
    %slice3A_15 = vector.extract_strided_slice %add3A_14 {offsets = [0, 0], sizes = [1024, 1], strides = [1, 1]} : vector<1024x4xf32> to vector<1024x1xf32>
    %swap3A = arith.constant 0 : index
    %swap3A_16 = arith.constant 0 : index
    %swap3A_17 = vector.load %arg6[%swap3A, %swap3A_16] : memref<1024x1xf32, #tpu.memory_space<vmem>>, vector<1024x1xf32>
    tpu.vector_store %arg6[%swap3A, %swap3A_16], %slice3A_15 {strides = array<i32>} : memref<1024x1xf32, #tpu.memory_space<vmem>>, vector<1024x1xf32>,
    %slice3A_18 = vector.extract_strided_slice %add3A_14 {offsets = [0, 1], sizes = [1024, 1], strides = [1, 1]} : vector<1024x4xf32> to vector<1024x1xf32>
    %swap3A_19 = arith.constant 0 : index
    %swap3A_20 = arith.constant 0 : index
    %swap3A_21 = vector.load %arg7[%swap3A_19, %swap3A_20] : memref<1024x1xf32, #tpu.memory_space<vmem>>, vector<1024x1xf32>
    tpu.vector_store %arg7[%swap3A_19, %swap3A_20], %slice3A_18 {strides = array<i32>} : memref<1024x1xf32, #tpu.memory_space<vmem>>, vector<1024x1xf32>,
    %slice3A_22 = vector.extract_strided_slice %add3A_14 {offsets = [0, 2], sizes = [1024, 1], strides = [1, 1]} : vector<1024x4xf32> to vector<1024x1xf32>
    %swap3A_23 = arith.constant 0 : index
    %swap3A_24 = arith.constant 0 : index
    %swap3A_25 = vector.load %arg8[%swap3A_23, %swap3A_24] : memref<1024x1xf32, #tpu.memory_space<vmem>>, vector<1024x1xf32>
    tpu.vector_store %arg8[%swap3A_23, %swap3A_24], %slice3A_22 {strides = array<i32>} : memref<1024x1xf32, #tpu.memory_space<vmem>>, vector<1024x1xf32>,
    %slice3A_26 = vector.extract_strided_slice %add3A_14 {offsets = [0, 3], sizes = [1024, 1], strides = [1, 1]} : vector<1024x4xf32> to vector<1024x1xf32>
    %swap3A_27 = arith.constant 0 : index
    %swap3A_28 = arith.constant 0 : index
    %swap3A_29 = vector.load %arg9[%swap3A_27, %swap3A_28] : memref<1024x1xf32, #tpu.memory_space<vmem>>, vector<1024x1xf32>
    tpu.vector_store %arg9[%swap3A_27, %swap3A_28], %slice3A_26 {strides = array<i32>} : memref<1024x1xf32, #tpu.memory_space<vmem>>, vector<1024x1xf32>,
    %convert_element_type3A = arith.truncf %get3A_1 : vector<1024x2048xf32> to vector<1024x2048xbf16>
    %reduce_max3A = arith.constant dense<0xFF80> : vector<1024xbf16>
    %reduce_max3A_30 = vector.multi_reduction <maximumf>, %convert_element_type3A, %reduce_max3A [1] : vector<1024x2048xbf16> to vector<1024xbf16>
    %broadcast_in_dim3A = vector.shape_cast %reduce_max3A_30 : vector<1024xbf16> to vector<1024x1xbf16>
    %convert_element_type3A_31 = arith.extf %broadcast_in_dim3A : vector<1024x1xbf16> to vector<1024x1xf32>
    %swap3A_32 = arith.constant 0 : index
    %swap3A_33 = arith.constant 0 : index
    %swap3A_34 = vector.load %arg11[%swap3A_32, %swap3A_33] : memref<1024x1xf32, #tpu.memory_space<vmem>>, vector<1024x1xf32>
    tpu.vector_store %arg11[%swap3A_32, %swap3A_33], %convert_element_type3A_31 {strides = array<i32>} : memref<1024x1xf32, #tpu.memory_space<vmem>>, vector<1024x1xf32>,
    %get3A_35 = arith.constant 0 : index
    %get3A_36 = arith.constant 0 : index
    %get3A_37 = vector.load %arg5[%get3A_35, %get3A_36] : memref<2048x1xbf16, #tpu.memory_space<vmem>>, vector<2048x1xbf16>
    %ne3A = arith.constant 0.000000e+00 : bf16
    %ne3A_38 = vector.broadcast %ne3A : bf16 to vector<1024x2048xbf16>
    %ne3A_39 = arith.cmpf one, %convert_element_type3A, %ne3A_38 : vector<1024x2048xbf16>
    %jit3A = arith.constant 1.000000e+00 : bf16
    %jit3A_40 = arith.constant 0.000000e+00 : bf16
    %broadcast_in_dim3A_41 = vector.broadcast %jit3A : bf16 to vector<1024x2048xbf16>
    %broadcast_in_dim3A_42 = vector.broadcast %jit3A_40 : bf16 to vector<1024x2048xbf16>
    %select_n3A = arith.select %ne3A_39, %broadcast_in_dim3A_41, %broadcast_in_dim3A_42 : vector<1024x2048xi1>, vector<1024x2048xbf16>
    %dot_general3A_43 = arith.constant dense<0.000000e+00> : vector<1024x1xf32>
    %dot_general3A_44 = tpu.matmul %select_n3A, %get3A_37, %dot_general3A_43 {dimension_numbers = #tpu.dot_dimension_numbers<[1], [0], [0], [1], [0, 0, 1, 1], [], []>, transpose_lhs_hint = false} : vector<1024x2048xbf16>, vector<2048x1xbf16>, vector<1024x1xf32> -> vector<1024x1xf32>
    %swap3A_45 = arith.constant 0 : index
    %swap3A_46 = arith.constant 0 : index
    %swap3A_47 = vector.load %arg12[%swap3A_45, %swap3A_46] : memref<1024x1xf32, #tpu.memory_space<vmem>>, vector<1024x1xf32>
    tpu.vector_store %arg12[%swap3A_45, %swap3A_46], %dot_general3A_44 {strides = array<i32>} : memref<1024x1xf32, #tpu.memory_space<vmem>>, vector<1024x1xf32>,
    %roll3A = arith.constant 1 : i32
    %roll3A_48 = tpu.dynamic_rotate %convert_element_type3A by %roll3A dim 1 : vector<1024x2048xbf16>, i32 -> vector<1024x2048xbf16>
    %ne3A_49 = arith.cmpf one, %convert_element_type3A, %roll3A_48 : vector<1024x2048xbf16>
    %jit3A_50 = arith.constant 1.000000e+00 : bf16
    %jit3A_51 = arith.constant 0.000000e+00 : bf16
    %broadcast_in_dim3A_52 = vector.broadcast %jit3A_50 : bf16 to vector<1024x2048xbf16>
    %broadcast_in_dim3A_53 = vector.broadcast %jit3A_51 : bf16 to vector<1024x2048xbf16>
    %select_n3A_54 = arith.select %ne3A_49, %broadcast_in_dim3A_52, %broadcast_in_dim3A_53 : vector<1024x2048xi1>, vector<1024x2048xbf16>
    %dot_general3A_55 = arith.constant dense<0.000000e+00> : vector<1024x1xf32>
    %dot_general3A_56 = tpu.matmul %select_n3A_54, %get3A_37, %dot_general3A_55 {dimension_numbers = #tpu.dot_dimension_numbers<[1], [0], [0], [1], [0, 0, 1, 1], [], []>, transpose_lhs_hint = false} : vector<1024x2048xbf16>, vector<2048x1xbf16>, vector<1024x1xf32> -> vector<1024x1xf32>
    %slice3A_57 = vector.extract_strided_slice %convert_element_type3A {offsets = [0, 0], sizes = [1024, 1], strides = [1, 1]} : vector<1024x2048xbf16> to vector<1024x1xbf16>
    %convert_element_type3A_58 = arith.extf %slice3A_57 : vector<1024x1xbf16> to vector<1024x1xf32>
    %slice3A_59 = vector.extract_strided_slice %convert_element_type3A {offsets = [0, 2047], sizes = [1024, 1], strides = [1, 1]} : vector<1024x2048xbf16> to vector<1024x1xbf16>
    %convert_element_type3A_60 = arith.extf %slice3A_59 : vector<1024x1xbf16> to vector<1024x1xf32>
    %ne3A_61 = arith.cmpf one, %convert_element_type3A_58, %convert_element_type3A_60 : vector<1024x1xf32>
    %jit3A_62 = arith.constant 1.000000e+00 : f32
    %jit3A_63 = arith.constant 0.000000e+00 : f32
    %broadcast_in_dim3A_64 = vector.broadcast %jit3A_62 : f32 to vector<1024x1xf32>
    %broadcast_in_dim3A_65 = vector.broadcast %jit3A_63 : f32 to vector<1024x1xf32>
    %select_n3A_66 = arith.select %ne3A_61, %broadcast_in_dim3A_64, %broadcast_in_dim3A_65 : vector<1024x1xi1>, vector<1024x1xf32>
    %sub3A = arith.subf %dot_general3A_56, %select_n3A_66 : vector<1024x1xf32>
    %swap3A_67 = arith.constant 0 : index
    %swap3A_68 = arith.constant 0 : index
    %swap3A_69 = vector.load %arg13[%swap3A_67, %swap3A_68] : memref<1024x1xf32, #tpu.memory_space<vmem>>, vector<1024x1xf32>
    tpu.vector_store %arg13[%swap3A_67, %swap3A_68], %sub3A {strides = array<i32>} : memref<1024x1xf32, #tpu.memory_space<vmem>>, vector<1024x1xf32>,
    %swap3A_70 = arith.constant 0 : index
    %swap3A_71 = arith.constant 0 : index
    %swap3A_72 = vector.load %arg10[%swap3A_70, %swap3A_71] : memref<1024x1xf32, #tpu.memory_space<vmem>>, vector<1024x1xf32>
    tpu.vector_store %arg10[%swap3A_70, %swap3A_71], %slice3A_6 {strides = array<i32>} : memref<1024x1xf32, #tpu.memory_space<vmem>>, vector<1024x1xf32>,
    return
  }
  func.func @transform_0(%arg0: i32) -> (i32, i32) {
    %c0_i32 = arith.constant 0 : i32
    %c0_i32_0 = arith.constant 0 : i32
    return %arg0, %c0_i32 : i32, i32
  }
  func.func @transform_1(%arg0: i32) -> (i32, i32) {
    %c0_i32 = arith.constant 0 : i32
    %c0_i32_0 = arith.constant 0 : i32
    %c0_i32_1 = arith.constant 0 : i32
    return %c0_i32, %c0_i32_0 : i32, i32
  }
  func.func @transform_2(%arg0: i32) -> (i32, i32) {
    %c0_i32 = arith.constant 0 : i32
    %c0_i32_0 = arith.constant 0 : i32
    %c0_i32_1 = arith.constant 0 : i32
    return %c0_i32, %c0_i32_0 : i32, i32
  }
  func.func @transform_3(%arg0: i32) -> (i32, i32) {
    %c0_i32 = arith.constant 0 : i32
    %c0_i32_0 = arith.constant 0 : i32
    return %arg0, %c0_i32 : i32, i32
  }
  func.func @transform_4(%arg0: i32) -> (i32, i32) {
    %c0_i32 = arith.constant 0 : i32
    %c0_i32_0 = arith.constant 0 : i32
    %c0_i32_1 = arith.constant 0 : i32
    return %c0_i32, %c0_i32_0 : i32, i32
  }
  func.func @transform_5(%arg0: i32) -> (i32, i32) {
    %c0_i32 = arith.constant 0 : i32
    %c0_i32_0 = arith.constant 0 : i32
    return %arg0, %c0_i32 : i32, i32
  }
  func.func @transform_6(%arg0: i32) -> (i32, i32) {
    %c0_i32 = arith.constant 0 : i32
    %c0_i32_0 = arith.constant 0 : i32
    return %arg0, %c0_i32 : i32, i32
  }
  func.func @transform_7(%arg0: i32) -> (i32, i32) {
    %c0_i32 = arith.constant 0 : i32
    %c0_i32_0 = arith.constant 0 : i32
    return %arg0, %c0_i32 : i32, i32
  }
  func.func @transform_8(%arg0: i32) -> (i32, i32) {
    %c0_i32 = arith.constant 0 : i32
    %c0_i32_0 = arith.constant 0 : i32
    return %arg0, %c0_i32 : i32, i32
  }
  func.func @transform_9(%arg0: i32) -> (i32, i32) {
    %c0_i32 = arith.constant 0 : i32
    %c0_i32_0 = arith.constant 0 : i32
    return %arg0, %c0_i32 : i32, i32
  }
  func.func @transform_10(%arg0: i32) -> (i32, i32) {
    %c0_i32 = arith.constant 0 : i32
    %c0_i32_0 = arith.constant 0 : i32
    return %arg0, %c0_i32 : i32, i32
  }
  func.func @transform_11(%arg0: i32) -> (i32, i32) {
    %c0_i32 = arith.constant 0 : i32
    %c0_i32_0 = arith.constant 0 : i32
    return %arg0, %c0_i32 : i32, i32
  }
  func.func @transform_12(%arg0: i32) -> (i32, i32) {
    %c0_i32 = arith.constant 0 : i32
    %c0_i32_0 = arith.constant 0 : i32
    return %arg0, %c0_i32 : i32, i32
  }
}

</mosaic_0001>

<sc_bundles>
// kernel: kernel.4.cloned.1.call-start
scs
__scs_entry_jumppad:
0x0: {  	(pc) =	sbr.rel $0x88, $3  }
0x1: {  	(tag) =	ssettag $0x0;
	lr =	simm.s32 $0x1  }
0x2: {  	[smem:$0x3F9D] =	sst lr;
	_ =	strace $0xD0000000  }
0x3: {  	_ = 	snop  }
0x4: {  	_ = 	snop  }
0x5: {  	_ = 	snop  }
0x6: {  	_ = 	snop  }
0x7: {  	_ = 	snop  }
__scs_overlays_trampoline_lowered:
0x8: {  	[smem:$0x3FAC] =	sst s0  }
0x9: {  	[smem:$0x3FAD] =	sst s1  }
0xa: {  	[smem:$0x3FAE] =	sst s2  }
0xb: {  	[smem:$0x3FAF] =	sst s3  }
0xc: {  	[smem:$0x3FB0] =	sst s4  }
0xd: {  	[smem:$0x3FB1] =	sst s5  }
0xe: {  	[smem:$0x3FB2] =	sst s6  }
0xf: {  	[smem:$0x3FB3] =	sst s7  }
0x10: {  	[smem:$0x3FB4] =	sst s8  }
0x11: {  	[smem:$0x3FB5] =	sst s9;
	s0 =	simm.s32 @!p0 $0x0  }
0x12: {  	s1 =	sld [smem:$0x3F9B];
	s0 =	simm.s32 @p0 $0x1  }
0x13: {  	[smem:$0x3FB6] =	sst s0;
	s0 =	simm.s32 @!p1 $0x0  }
0x14: {  	s2 =	sld [smem:$0x3F9A];
	s0 =	simm.s32 @p1 $0x1  }
0x15: {  	[smem:$0x3FB7] =	sst s0;
	s0 =	simm.s32 @!p2 $0x0  }
0x16: {  	s3 =	sld [smem:$0x3FDB];
	s0 =	simm.s32 @p2 $0x1  }
0x17: {  	s4 =	simm.s32 $0x1BF5;
	[smem:$0x3FB9] =	sst s0  }
0x18: {  	s0 =	sld [smem:$0x3F9C];
	_ =	swait.ge [sflag:s4], $0x0  }
0x19: {  	s7 =	sld [smem:$0x3F9D]  }
0x1a: {  	s8 =	sadd.s32 $0xFFFFE003, lr  }
0x1b: {  	s9 =	sadd.s32 $0xFFFFFEF7, lr;
	s5 =	simm.s32 $0xFFFFFFFF;
	p2 =	slt.u32 s8, $0xFFFFF086  }
0x1c: {  	p1 =	slt.u32 s9, $0xF7A;
	s5 =	simm.s32 @!p2 $0x0  }
0x1d: {  	s5 =	simm.s32 @p1 $0x1;
	p0 =	seq.s32 s7, s2  }
0x1e: {  	s7 =	smul.u32 @!p0 $0xF7A, s2;
	p2 =	seq.s32 @!p0 s5, $0x0  }
0x1f: {  	s9 =	smul.u32 $0xF7A, s1;
	s8 =	simm.s32 @!p0 $0x1BF5;
	p2 =	por !p2, p0  }
0x20: {  	[sflag:s8] =	ssyncset.s32 @!p0 $0xFFFFF086;
	s6 =	sadd.s32 @!p0 s3, s7;
	s7 =	simm.s32 @!p0 $0x108  }
0x21: {  	s3 =	sadd.s32 s3, s9;
	s6 =	sadd.s32 @!p0 $0x88, s6;
	s7 =	simm.s32 @p2 $0x1082  }
0x22: {  	[simem:s7], [sflag:s8] =	dma.local @!p0 [hbm:s6], $0xF7A  }
0x23: {  	s9 =	sor.u32 $0xD0000000, s2;
	s6 =	simm.s32 $0x108;
	_ =	swait.ge @!p0 [sflag:s8], $0x0  }
0x24: {  	s3 =	sadd.s32 $0x88, s3;
	s6 =	simm.s32 @!p1 $0x1082;
	[sflag:s4] =	ssyncset.s32 $0xFFFFF086  }
0x25: {  	[simem:s6], [sflag:s4] =	dma.local [hbm:s3], $0xF7A  }
0x26: {  	[smem:$0x3F9D] =	sst s1;
	(tag) =	ssettag s2;
	_ =	strace s9  }
0x27: {  	s1 =	sld [smem:$0x3FAD]  }
0x28: {  	s2 =	sld [smem:$0x3FAE]  }
0x29: {  	s4 =	sld [smem:$0x3FB0]  }
0x2a: {  	p0 =	seq.s32 s5, $0x0;
	s5 =	sld [smem:$0x3FB1]  }
0x2b: {  	s6 =	sld [smem:$0x3FB2]  }
0x2c: {  	s7 =	sld [smem:$0x3FB3]  }
0x2d: {  	s3 =	simm.s32 $0x108;
	s8 =	sld [smem:$0x3FB4]  }
0x2e: {  	s3 =	simm.s32 @!p0 $0x1082;
	s9 =	sld [smem:$0x3FB5]  }
0x2f: {  	lr =	sadd.s32 s0, s3;
	s0 =	sld [smem:$0x3FAC]  }
0x30: {  	s3 =	sld [smem:$0x3FAF]  }
0x31: {  	[smem:$0x3FB8] =	sst s10  }
0x32: {  	s10 =	sld [smem:$0x3FB6];
	_ =	sdelay $0x3  }
0x33: {  	p0 =	seq.s32 s10, $0x1;
	s10 =	sld [smem:$0x3FB8];
	_ =	sdelay $0x3  }
0x34: {  	[smem:$0x3FB8] =	sst s10  }
0x35: {  	s10 =	sld [smem:$0x3FB7];
	_ =	sdelay $0x3  }
0x36: {  	p1 =	seq.s32 s10, $0x1;
	s10 =	sld [smem:$0x3FB8];
	_ =	sdelay $0x3  }
0x37: {  	[smem:$0x3FB8] =	sst s10  }
0x38: {  	s10 =	sld [smem:$0x3FB9]  }
0x39: {  	_ = 	snop;
	(pc) =	sbr.ind lr, $3  }
0x3a: {  	_ = 	snop  }
0x3b: {  	_ = 	snop  }
0x3c: {  	p2 =	seq.s32 s10, $0x1;
	s10 =	sld [smem:$0x3FB8]  }
0x3d: {  	_ =	shalt  }
0x3e: {  	_ =	shalt  }
0x3f: {  	_ =	shalt  }
0x40: {  	_ =	shalt  }
0x41: {  	_ =	shalt  }
0x42: {  	_ =	shalt  }
0x43: {  	_ =	shalt  }
0x44: {  	_ =	shalt  }
0x45: {  	_ =	shalt  }
0x46: {  	_ =	shalt  }
0x47: {  	_ =	shalt  }
0x48: {  	_ =	shalt  }
0x49: {  	_ =	shalt  }
0x4a: {  	_ =	shalt  }
0x4b: {  	_ =	shalt  }
0x4c: {  	_ =	shalt  }
0x4d: {  	_ =	shalt  }
0x4e: {  	_ =	shalt  }
0x4f: {  	_ =	shalt  }
0x50: {  	_ =	shalt  }
0x51: {  	_ =	shalt  }
0x52: {  	_ =	shalt  }
0x53: {  	_ =	shalt  }
0x54: {  	_ =	shalt  }
0x55: {  	_ =	shalt  }
0x56: {  	_ =	shalt  }
0x57: {  	_ =	shalt  }
0x58: {  	_ =	shalt  }
0x59: {  	_ =	shalt  }
0x5a: {  	_ =	shalt  }
0x5b: {  	_ =	shalt  }
0x5c: {  	_ =	shalt  }
0x5d: {  	_ =	shalt  }
0x5e: {  	_ =	shalt  }
0x5f: {  	_ =	shalt  }
0x60: {  	_ =	shalt  }
0x61: {  	_ =	shalt  }
0x62: {  	_ =	shalt  }
0x63: {  	_ =	shalt  }
0x64: {  	_ =	shalt  }
0x65: {  	_ =	shalt  }
0x66: {  	_ =	shalt  }
0x67: {  	_ =	shalt  }
0x68: {  	_ =	shalt  }
0x69: {  	_ =	shalt  }
0x6a: {  	_ =	shalt  }
0x6b: {  	_ =	shalt  }
0x6c: {  	_ =	shalt  }
0x6d: {  	_ =	shalt  }
0x6e: {  	_ =	shalt  }
0x6f: {  	_ =	shalt  }
0x70: {  	_ =	shalt  }
0x71: {  	_ =	shalt  }
0x72: {  	_ =	shalt  }
0x73: {  	_ =	shalt  }
0x74: {  	_ =	shalt  }
0x75: {  	_ =	shalt  }
0x76: {  	_ =	shalt  }
0x77: {  	_ =	shalt  }
0x78: {  	_ =	shalt  }
0x79: {  	_ =	shalt  }
0x7a: {  	_ =	shalt  }
0x7b: {  	_ =	shalt  }
0x7c: {  	_ =	shalt  }
0x7d: {  	_ =	shalt  }
0x7e: {  	_ =	shalt  }
0x7f: {  	_ =	shalt  }
0x80: {  	_ =	shalt  }
0x81: {  	_ =	shalt  }
0x82: {  	_ =	shalt  }
0x83: {  	_ =	shalt  }
0x84: {  	_ =	shalt  }
0x85: {  	_ =	shalt  }
0x86: {  	_ =	shalt  }
0x87: {  	_ =	shalt  }
.Lfunc_end0:
.L_simem_size_0:
called_computation_lowered:
.L_overlay_start_0:
0x88: {  	s2 =	sld [smem:$0x3FD9]  }
0x89: {  	s3 =	sld [smem:$0x3FFE];
	_ =	sdelay $0x1  }
0x8a: {  	s1 =	srdreg.scid  }
0x8b: {  	s0 =	sand.u32 $0x1, s1  }
0x8c: {  	s17 =	sshll.u32 s0, $0xA;
	s2 =	sadd.s32 s3, s2  }
0x8d: {  	s2 =	sadd.s32 s2, s17  }
0x8e: {  	[smem:$0x3FC4] =	sst s2  }
0x8f: {  	_ = 	snop  }
0x90: {  	s2 =	sld [smem:$0x3FD0];
	(tm) =	ssettm $0x1  }
0x91: {  	s18 =	sld [smem:$0x3FFB];
	_ =	sdelay $0x3  }
0x92: {  	_ =	strace s18  }
0x93: {  	s3 =	sld [smem:$0x3FFC];
	_ =	sdelay $0x3  }
0x94: {  	_ =	strace s3  }
0x95: {  	s3 =	sld [smem:$0x3FFD];
	_ =	sdelay $0x3  }
0x96: {  	_ =	strace s3  }
0x97: {  	_ =	strace $0x8FFFFFFF  }
0x98: {  	s19 =	sld [smem:$0x3FDB];
	_ =	sdelay $0x1  }
0x99: {  	s4 =	simm.s32 $_scs_section_size  }
0x9a: {  	s5 =	simm.s32 $_size__tile_overlayer_lowered;
	s6 =	simm.s32 $_tile_overlayer_lowered  }
0x9b: {  	s22 =	simm.s32 $0x1BFF;
	s21 =	sshll.u32 s6, $0x1;
	s3 =	sadd.s32 s4, s19  }
0x9c: {  	s7 =	simm.s32 $0x0;
	s20 =	sshll.u32 s5, $0x1;
	s5 =	sadd.s32 s21, s3  }
0x9d: {  	[timem:s7], [sflag:s22] =	dma.local [hbm:s5], s20  }
0x9e: {  	_ =	swait.ge [sflag:s22], s20  }
0x9f: {  	s4 =	ssub.s32 $0x0, s20;
	[sflag:s22] =	ssyncset.done $0x0  }
0xa0: {  	[sflag:s22] =	ssyncadd.s32 s4;
	_ =	sdelay $0x1  }
0xa1: {  	s23 =	simm.s32 $0x1B8B  }
0xa2: {  	_ =	swait.ge [sflag:s23], $0x1  }
0xa3: {  	[sflag:s23] =	ssyncset.done $0x0  }
0xa4: {  	s25 =	simm.s32 $0x1B8E;
	s24 =	sld [smem:$0x3FFE];
	[sflag:s23] =	ssyncadd.s32 $0xFFFFFFFF  }
0xa5: {  	s26 =	simm.s32 $execute0_lowered;
	[smem:$0x3FD2] =	sst s25  }
0xa6: {  	s5 =	sshll.u32 s26, $0x1;
	_ =	strace $0x80000046;
	[dreg:$0x1] =	wrdreg $0xFFFFFFFF  }
0xa7: {  	s28 =	simm.s32 $_size_execute0_lowered;
	s3 =	sadd.s32 s3, s5;
	[dreg:$0x0] =	wrdreg $0x0  }
0xa8: {  	s5 =	sshll.u32 s28, $0x1;
	[dreg:$0x2] =	wrdreg s3  }
0xa9: {  	[dreg:$0x3] =	wrdreg s5  }
0xaa: {  	[dreg:$0x4] =	wrdreg $0xC0  }
0xab: {  	_ =	task [dreg:s7], $0x5FFFF  }
0xac: {  	[dreg:$0x1] =	wrdreg $0xFFFFFFFF  }
0xad: {  	[dreg:$0x0] =	wrdreg $0x60  }
0xae: {  	[dreg:$0x2] =	wrdreg s24  }
0xaf: {  	[dreg:$0x3] =	wrdreg s2  }
0xb0: {  	[dreg:$0x4] =	wrdreg $0x9  }
0xb1: {  	_ =	task.clear_ibuf [dreg:s7], $0x5FFFF;
	_ =	strace $0x90000046  }
0xb2: {  	s29 =	simm.s32 $0x9;
	_ =	strace $0x80000048  }
0xb3: {  	_ =	swait.ge [sflag:s29], $0x1  }
0xb4: {  	[sflag:s29] =	ssyncadd.s32 $0xFFFFFFFF  }
0xb5: {  	_ =	strace $0x90000048  }
0xb6: {  	_ =	sfence  }
0xb7: {  	s30 =	sld [smem:$0x0];
	_ =	sdelay $0x2  }
0xb8: {  	s31 =	sshll.u32 s1, $0xD;
	s1 =	sshrl.u32 s1, $0x2  }
0xb9: {  	s3 =	sand.u32 $0x4000, s31;
	s1 =	sadd.s32 s1, s30  }
0xba: {  	s0 =	sor.u32 s3, s0;
	s1 =	sshll.u32 s1, $0x11  }
0xbb: {  	s0 =	sor.u32 s1, s0  }
0xbc: {  	s0 =	sadd.s32 $0x8F2B, s0  }
0xbd: {  	[sflag:s0] =	ssyncadd.remote.s32 $0x1  }
0xbe: {  	_ =	sfence.sel $0xFFFF  }
0xbf: {  	[dreg:$0x0] =	wrdreg $0xFFFFFFFF;
	(pc) =	sbr.abs _section_cstart, $3  }
0xc0: {  	[dreg:$0x1] =	wrdreg $0xFFFFFFFF  }
0xc1: {  	_ =	task.clear_ibuf [dreg:s7], $0x2FFFF;
	_ =	strace $0x9FFFFFFF  }
0xc2: {  	(tm) =	ssettm $0x7FFFFFFF  }
0xc3: {  	_ =	shalt  }
tec
execute0_lowered:
.L_overlay_start_1:
0x0: {  	(tag) =	ssettag $0x1  }
0x1: {  	s3 =	rddreg [dreg:$0x0]  }
0x2: {  	s11 =	rddreg [dreg:$0x1]  }
0x3: {  	s0 =	rddreg [dreg:$0x2];
	s4 =	srdreg.scid  }
0x4: {  	s2 =	simm.s32 $0x0;
	s1 =	stileid.u32;
	s14 =	simm.s32 $0x200  }
0x5: {  	s15 =	simm.s32 $0x400;
	s16 =	simm.s32 $0x600;
	s17 =	simm.s32 $0x800  }
0x6: {  	s18 =	simm.s32 $0xA00;
	s19 =	simm.s32 $0xC00;
	s20 =	simm.s32 $0xE00  }
0x7: {  	s21 =	simm.s32 $0x1000;
	s4 =	sand.u32 $0x1, s4;
	s6 =	sshll.u32 s1, $0x7  }
0x8: {  	[smem:$0x7FF] =	sst s2;
	s5 =	ssub.s32 $0x2, s4;
	s4 =	sshll.u32 s4, $0x6  }
0x9: {  	_ =	strace $0x80000047;
	s7 =	sshrl.u32 s5, $0x1;
	s12 =	sor.u32 s4, s6  }
0xa: {  	s13 =	ssub.s32 s5, s7;
	s3 =	sadd.s32 s3, s12;
	s11 =	sadd.s32 s11, s12  }
0xb: {  	s4 =	sadd.s32 $0x800, s3;
	s5 =	sadd.s32 $0x1000, s3;
	s6 =	sadd.s32 $0x1800, s3  }
0xc: {  	s7 =	sadd.s32 $0x2000, s3;
	s8 =	sadd.s32 $0x2800, s3;
	s9 =	sadd.s32 $0x3000, s3  }
0xd: {  	s10 =	sadd.s32 $0x3800, s3;
	s12 =	smax.u32 s13, $0x1;
	s13 =	simm.s32 $0x1  }
.LBB2_1:
0xe: {  	[tilespmem:s2], [sflag:$0x1] =	stream.linear.gather [hbm4b:s3+s2], $0x200, $0x38;
	[tilespmem:$0x1200] =	vst v63  }
0xf: {  	_ =	swait.ge [sflag:s13], $0x200  }
0x10: {  	[sflag:s13] =	ssyncset.done $0x0  }
0x11: {  	[sflag:s13] =	ssyncadd.s32 $0xFFFFFE00  }
0x12: {  	[tilespmem:s14], [sflag:$0x1] =	stream.linear.gather [hbm4b:s4+s2], $0x200, $0x38;
	[tilespmem:$0x1200] =	vst v63  }
0x13: {  	_ =	swait.ge [sflag:s13], $0x200  }
0x14: {  	[sflag:s13] =	ssyncset.done $0x0  }
0x15: {  	[sflag:s13] =	ssyncadd.s32 $0xFFFFFE00  }
0x16: {  	[tilespmem:s15], [sflag:$0x1] =	stream.linear.gather [hbm4b:s5+s2], $0x200, $0x38;
	[tilespmem:$0x1200] =	vst v63  }
0x17: {  	_ =	swait.ge [sflag:s13], $0x200  }
0x18: {  	[sflag:s13] =	ssyncset.done $0x0  }
0x19: {  	[sflag:s13] =	ssyncadd.s32 $0xFFFFFE00  }
0x1a: {  	[tilespmem:s16], [sflag:$0x1] =	stream.linear.gather [hbm4b:s6+s2], $0x200, $0x38;
	[tilespmem:$0x1200] =	vst v63  }
0x1b: {  	_ =	swait.ge [sflag:s13], $0x200  }
0x1c: {  	[sflag:s13] =	ssyncset.done $0x0  }
0x1d: {  	[sflag:s13] =	ssyncadd.s32 $0xFFFFFE00  }
0x1e: {  	[tilespmem:s17], [sflag:$0x1] =	stream.linear.gather [hbm4b:s7+s2], $0x200, $0x38;
	[tilespmem:$0x1200] =	vst v63  }
0x1f: {  	_ =	swait.ge [sflag:s13], $0x200  }
0x20: {  	[sflag:s13] =	ssyncset.done $0x0  }
0x21: {  	[sflag:s13] =	ssyncadd.s32 $0xFFFFFE00  }
0x22: {  	[tilespmem:s18], [sflag:$0x1] =	stream.linear.gather [hbm4b:s8+s2], $0x200, $0x38;
	[tilespmem:$0x1200] =	vst v63  }
0x23: {  	_ =	swait.ge [sflag:s13], $0x200  }
0x24: {  	[sflag:s13] =	ssyncset.done $0x0  }
0x25: {  	[sflag:s13] =	ssyncadd.s32 $0xFFFFFE00  }
0x26: {  	[tilespmem:s19], [sflag:$0x1] =	stream.linear.gather [hbm4b:s9+s2], $0x200, $0x38;
	[tilespmem:$0x1200] =	vst v63  }
0x27: {  	_ =	swait.ge [sflag:s13], $0x200  }
0x28: {  	[sflag:s13] =	ssyncset.done $0x0  }
0x29: {  	[sflag:s13] =	ssyncadd.s32 $0xFFFFFE00  }
0x2a: {  	[tilespmem:s20], [sflag:$0x1] =	stream.linear.gather [hbm4b:s10+s2], $0x200, $0x38;
	[tilespmem:$0x1200] =	vst v63  }
0x2b: {  	_ =	swait.ge [sflag:s13], $0x200  }
0x2c: {  	[sflag:s13] =	ssyncset.done $0x0  }
0x2d: {  	[sflag:s13] =	ssyncadd.s32 $0xFFFFFE00  }
0x2e: {  	v57 =	vld [tilespmem:$0x0]  }
0x2f: {  	v4 =	vld [tilespmem:$0x200]  }
0x30: {  	v56 =	vld [tilespmem:$0x400]  }
0x31: {  	v42 =	vld [tilespmem:$0x600]  }
0x32: {  	v27 =	vld [tilespmem:$0x800]  }
0x33: {  	v0 =	vld [tilespmem:$0xA00]  }
0x34: {  	v50 =	vld [tilespmem:$0xC00]  }
0x35: {  	v51 =	vld [tilespmem:$0xE00]  }
0x36: {  	v61 =	vld [tilespmem:$0x10]  }
0x37: {  	v6 =	vld [tilespmem:$0x210]  }
0x38: {  	v13 =	vld [tilespmem:$0x410]  }
0x39: {  	v52 =	vld [tilespmem:$0x610]  }
0x3a: {  	v28 =	vld [tilespmem:$0x810]  }
0x3b: {  	v53 =	vld [tilespmem:$0xA10]  }
0x3c: {  	v54 =	vld [tilespmem:$0xC10]  }
0x3d: {  	v55 =	vld [tilespmem:$0xE10]  }
0x3e: {  	v2 =	vld [tilespmem:$0x20]  }
0x3f: {  	v1 =	vld [tilespmem:$0x220]  }
0x40: {  	v12 =	vld [tilespmem:$0x420]  }
0x41: {  	v46 =	vld [tilespmem:$0x620]  }
0x42: {  	v33 =	vld [tilespmem:$0x820]  }
0x43: {  	v58 =	vld [tilespmem:$0xA20]  }
0x44: {  	v59 =	vld [tilespmem:$0xC20]  }
0x45: {  	v60 =	vld [tilespmem:$0xE20]  }
0x46: {  	v5 =	vld [tilespmem:$0x30]  }
0x47: {  	v3 =	vld [tilespmem:$0x230]  }
0x48: {  	v9 =	vld [tilespmem:$0x430]  }
0x49: {  	v48 =	vld [tilespmem:$0x630]  }
0x4a: {  	v37 =	vld [tilespmem:$0x830]  }
0x4b: {  	v62 =	vld [tilespmem:$0xA30]  }
0x4c: {  	v63 =	vld [tilespmem:$0xC30]  }
0x4d: {  	v7 =	vld [tilespmem:$0xE30]  }
0x4e: {  	v10 =	vld [tilespmem:$0x40]  }
0x4f: {  	v14 =	vld [tilespmem:$0x440]  }
0x50: {  	v45 =	vld [tilespmem:$0x840]  }
0x51: {  	v8 =	vld [tilespmem:$0xA40]  }
0x52: {  	v11 =	vld [tilespmem:$0xC40]  }
0x53: {  	v15 =	vld [tilespmem:$0xE40];
	[tilespmem:$0x1F8C0] =	vst v0  }
0x54: {  	v16 =	vld [tilespmem:$0xA50];
	[tilespmem:$0x1F8D0] =	vst v50  }
0x55: {  	v17 =	vld [tilespmem:$0xC50];
	[tilespmem:$0x1F8F0] =	vst v51  }
0x56: {  	v18 =	vld [tilespmem:$0xE50];
	[tilespmem:$0x1F8B0] =	vst v52  }
0x57: {  	v19 =	vld [tilespmem:$0x660];
	[tilespmem:$0x1F8E0] =	vst v53  }
0x58: {  	v47 =	vld [tilespmem:$0x860];
	[tilespmem:$0x1F910] =	vst v54  }
0x59: {  	v20 =	vld [tilespmem:$0xA60];
	[tilespmem:$0x1F930] =	vst v55  }
0x5a: {  	v21 =	vld [tilespmem:$0xC60];
	[tilespmem:$0x1F900] =	vst v58  }
0x5b: {  	v22 =	vld [tilespmem:$0xE60];
	[tilespmem:$0x1F940] =	vst v59  }
0x5c: {  	v24 =	vld [tilespmem:$0x470];
	[tilespmem:$0x1F950] =	vst v60  }
0x5d: {  	v23 =	vld [tilespmem:$0x670];
	[tilespmem:$0x1F960] =	vst v62  }
0x5e: {  	v25 =	vld [tilespmem:$0xA70];
	[tilespmem:$0x1F990] =	vst v63  }
0x5f: {  	v26 =	vld [tilespmem:$0xC70];
	[tilespmem:$0x1F9C0] =	vst v7  }
0x60: {  	v7 =	vld [tilespmem:$0x240];
	[tilespmem:$0x1F9B0] =	vst v8  }
0x61: {  	v53 =	vld [tilespmem:$0x640];
	[tilespmem:$0x1F9E0] =	vst v11  }
0x62: {  	[tilespmem:$0x1FA20] =	vst v15;
	v11 =	vld [tilespmem:$0x50]  }
0x63: {  	v8 =	vld [tilespmem:$0x250];
	[tilespmem:$0x1F9F0] =	vst v16  }
0x64: {  	v15 =	vld [tilespmem:$0x450];
	[tilespmem:$0x1FA30] =	vst v17  }
0x65: {  	v55 =	vld [tilespmem:$0x650];
	[tilespmem:$0x1FAA0] =	vst v18  }
0x66: {  	v52 =	vld [tilespmem:$0x850];
	[tilespmem:$0x1F920] =	vst v19  }
0x67: {  	v17 =	vld [tilespmem:$0x60];
	[tilespmem:$0x1FA00] =	vst v20  }
0x68: {  	v16 =	vld [tilespmem:$0x260];
	[tilespmem:$0x1FA40] =	vst v21  }
0x69: {  	v18 =	vld [tilespmem:$0x460];
	[tilespmem:$0x1FAC0] =	vst v22  }
0x6a: {  	v22 =	vld [tilespmem:$0x70];
	[tilespmem:$0x1F970] =	vst v23  }
0x6b: {  	v21 =	vld [tilespmem:$0x270];
	[tilespmem:$0x1FA50] =	vst v25  }
0x6c: {  	v58 =	vld [tilespmem:$0x870];
	[tilespmem:$0x1FAD0] =	vst v26  }
0x6d: {  	v0 =	vld [tilespmem:$0xE70]  }
0x6e: {  	v62 =	vld [tilespmem:$0xEB0];
	_ =	sdelay $0x2  }
0x6f: {  	v20 =	vld [tilespmem:$0x80]  }
0x70: {  	v19 =	vld [tilespmem:$0x280]  }
0x71: {  	[tilespmem:$0x1FC90] =	vst v62;
	v62 =	vld [tilespmem:$0x6E0]  }
0x72: {  	v23 =	vld [tilespmem:$0x480]  }
0x73: {  	v29 =	vld [tilespmem:$0x680]  }
0x74: {  	v30 =	vld [tilespmem:$0x880]  }
0x75: {  	v31 =	vld [tilespmem:$0xA80]  }
0x76: {  	[tilespmem:$0x1FBD0] =	vst v62;
	v62 =	vld [tilespmem:$0x6F0]  }
0x77: {  	v32 =	vld [tilespmem:$0xC80]  }
0x78: {  	v34 =	vld [tilespmem:$0xE80]  }
0x79: {  	v26 =	vld [tilespmem:$0x90]  }
0x7a: {  	v25 =	vld [tilespmem:$0x290]  }
0x7b: {  	[tilespmem:$0x1FC00] =	vst v62;
	v62 =	vld [tilespmem:$0xAF0]  }
0x7c: {  	v35 =	vld [tilespmem:$0x690]  }
0x7d: {  	v36 =	vld [tilespmem:$0x890]  }
0x7e: {  	v38 =	vld [tilespmem:$0xA90]  }
0x7f: {  	v39 =	vld [tilespmem:$0xC90]  }
0x80: {  	[tilespmem:$0x1FDA0] =	vst v62;
	v62 =	vld [tilespmem:$0xEF0]  }
0x81: {  	v40 =	vld [tilespmem:$0xE90]  }
0x82: {  	v41 =	vld [tilespmem:$0x6A0]  }
0x83: {  	v43 =	vld [tilespmem:$0x8A0]  }
0x84: {  	v44 =	vld [tilespmem:$0xAA0]  }
0x85: {  	[tilespmem:$0x1FE30] =	vst v62;
	v62 =	vld [tilespmem:$0x500]  }
0x86: {  	v49 =	vld [tilespmem:$0xCA0]  }
0x87: {  	v50 =	vld [tilespmem:$0xEA0]  }
0x88: {  	v51 =	vld [tilespmem:$0x6B0]  }
0x89: {  	v54 =	vld [tilespmem:$0x8B0]  }
0x8a: {  	[tilespmem:$0x1FC50] =	vst v62;
	v62 =	vld [tilespmem:$0x700]  }
0x8b: {  	v59 =	vld [tilespmem:$0xAB0]  }
0x8c: {  	v60 =	vld [tilespmem:$0xCB0]  }
0x8d: {  	v63 =	vld [tilespmem:$0x6C0];
	[tilespmem:$0x1FB40] =	vst v0  }
0x8e: {  	[tilespmem:$0x1F9A0] =	vst v29;
	v29 =	vld [tilespmem:$0x490]  }
0x8f: {  	[tilespmem:$0x1FC80] =	vst v62;
	v62 =	vld [tilespmem:$0x900]  }
0x90: {  	[tilespmem:$0x1FB60] =	vst v34;
	v34 =	vld [tilespmem:$0xA0]  }
0x91: {  	[tilespmem:$0x1FB10] =	vst v32;
	v32 =	vld [tilespmem:$0x2A0]  }
0x92: {  	[tilespmem:$0x1F9D0] =	vst v36;
	v36 =	vld [tilespmem:$0x4A0]  }
0x93: {  	[tilespmem:$0x1FA90] =	vst v31;
	v31 =	vld [tilespmem:$0xB0]  }
0x94: {  	[tilespmem:$0x1FC60] =	vst v62;
	v62 =	vld [tilespmem:$0xB00]  }
0x95: {  	[tilespmem:$0x1F980] =	vst v30;
	v30 =	vld [tilespmem:$0x2B0]  }
0x96: {  	[tilespmem:$0x1FA10] =	vst v35;
	v35 =	vld [tilespmem:$0x4B0]  }
0x97: {  	[tilespmem:$0x1FA70] =	vst v41;
	v41 =	vld [tilespmem:$0xC0]  }
0x98: {  	[tilespmem:$0x1FB90] =	vst v40;
	v40 =	vld [tilespmem:$0x2C0]  }
0x99: {  	[tilespmem:$0x1FDC0] =	vst v62;
	v62 =	vld [tilespmem:$0xD00]  }
0x9a: {  	[tilespmem:$0x1FBB0] =	vst v44;
	v44 =	vld [tilespmem:$0x4C0]  }
0x9b: {  	[tilespmem:$0x1FAF0] =	vst v38;
	v38 =	vld [tilespmem:$0x8C0]  }
0x9c: {  	[tilespmem:$0x1FB80] =	vst v39;
	v39 =	vld [tilespmem:$0xAC0]  }
0x9d: {  	[tilespmem:$0x1FA60] =	vst v43;
	v43 =	vld [tilespmem:$0xCC0]  }
0x9e: {  	[tilespmem:$0x1FE10] =	vst v62;
	v62 =	vld [tilespmem:$0xF00]  }
0x9f: {  	[tilespmem:$0x1FBE0] =	vst v49;
	v49 =	vld [tilespmem:$0xEC0]  }
0xa0: {  	[tilespmem:$0x1FC10] =	vst v50;
	v50 =	vld [tilespmem:$0x6D0]  }
0xa1: {  	[tilespmem:$0x1FA80] =	vst v51;
	v51 =	vld [tilespmem:$0x8D0]  }
0xa2: {  	[tilespmem:$0x1FAE0] =	vst v54;
	v54 =	vld [tilespmem:$0xAD0]  }
0xa3: {  	vm0 =	vgt.f32 v1, v2;
	[tilespmem:$0x1FE50] =	vst v62;
	v62 =	vld [tilespmem:$0x110]  }
0xa4: {  	v1 =	vsel vm0, v1, v2;
	[tilespmem:$0x1FBF0] =	vst v59;
	v59 =	vld [tilespmem:$0xCD0]  }
0xa5: {  	vm8 =	vgt.f32 v12, v1;
	[tilespmem:$0x1FC70] =	vst v60;
	v60 =	vld [tilespmem:$0xED0];
	v0 =	vadd.f32 $9.999999970e-07, v27  }
0xa6: {  	vm6 =	vgt.f32 v4, v57;
	v1 =	vsel vm8, v12, v1;
	[tilespmem:$0x1FB20] =	vst v63;
	v63 =	vld [tilespmem:$0x8E0]  }
0xa7: {  	vm4 =	vgt.f32 v7, v10;
	(erf) = vrcp.f32 v0;
	v0 =	vsel vm6, v4, v57;
	v57 =	vld [tilespmem:$0xF10]  }
0xa8: {  	vm10 =	vgt.f32 v46, v1;
	v46 =	vsel vm4, v7, v10;
	[tilespmem:$0x1FCC0] =	vst v62;
	v62 =	vld [tilespmem:$0x310]  }
0xa9: {  	vm9 =	vgt.f32 v14, v46;
	v4 =	vld [tilespmem:$0x130]  }
0xaa: {  	v1 =	vsel vm9, v14, v46;
	v14 =	vld [tilespmem:$0xB30]  }
0xab: {  	vm14 =	vgt.f32 v56, v0;
	vm7 =	vgt.f32 v53, v1;
	v53 =	vld [tilespmem:$0x1F8D0]  }
0xac: {  	v0 =	vsel vm14, v56, v0;
	v56 =	vld [tilespmem:$0x320]  }
0xad: {  	[tilespmem:$0x1FCD0] =	vst v62;
	v62 =	vld [tilespmem:$0x510]  }
0xae: {  	[tilespmem:$0x1FC40] =	vst v39;
	v39 =	vld [tilespmem:$0xD0]  }
0xaf: {  	[tilespmem:$0x1FB00] =	vst v38;
	v38 =	vld [tilespmem:$0x2D0]  }
0xb0: {  	[tilespmem:$0x1FCB0] =	vst v43;
	v43 =	vld [tilespmem:$0x4D0]  }
0xb1: {  	[tilespmem:$0x1FBA0] =	vst v51;
	v51 =	vld [tilespmem:$0xE0]  }
0xb2: {  	[tilespmem:$0x1FD10] =	vst v62;
	v62 =	vld [tilespmem:$0x710]  }
0xb3: {  	[tilespmem:$0x1FCE0] =	vst v49;
	v49 =	vld [tilespmem:$0x2E0]  }
0xb4: {  	[tilespmem:$0x1FD50] =	vst v59;
	v59 =	vld [tilespmem:$0x4E0]  }
0xb5: {  	[tilespmem:$0x1FB30] =	vst v50;
	v50 =	vld [tilespmem:$0xAE0]  }
0xb6: {  	[tilespmem:$0x1FCF0] =	vst v54;
	v54 =	vld [tilespmem:$0xCE0]  }
0xb7: {  	[tilespmem:$0x1FD30] =	vst v62;
	v62 =	vld [tilespmem:$0x910]  }
0xb8: {  	[tilespmem:$0x1FD70] =	vst v60;
	v60 =	vld [tilespmem:$0xEE0]  }
0xb9: {  	vm12 =	vgt.f32 v6, v61;
	[tilespmem:$0x1FBC0] =	vst v63;
	v63 =	vld [tilespmem:$0x4F0]  }
0xba: {  	vm11 =	vgt.f32 v42, v0;
	v0 =	vsel vm12, v6, v61;
	v61 =	vld [tilespmem:$0x520]  }
0xbb: {  	v42 =	vld [tilespmem:$0x720]  }
0xbc: {  	[tilespmem:$0x1FD20] =	vst v62;
	v62 =	vld [tilespmem:$0xB10]  }
0xbd: {  	vm3 =	vgt.f32 v3, v5;
	vm2 =	vgt.f32 v13, v0;
	[tilespmem:$0x1FE80] =	vst v57;
	v57 =	vld [tilespmem:$0x120]  }
0xbe: {  	v0 =	vsel vm2, v13, v0;
	v13 =	vsel vm3, v3, v5;
	v5 =	vld [tilespmem:$0xD20]  }
0xbf: {  	v3 =	vld [tilespmem:$0x330]  }
0xc0: {  	[tilespmem:$0x1FD90] =	vst v60;
	v60 =	vld [tilespmem:$0x8F0]  }
0xc1: {  	[tilespmem:$0x1FE20] =	vst v62;
	v62 =	vld [tilespmem:$0xD10]  }
0xc2: {  	[tilespmem:$0x1FEA0] =	vst v14;
	v14 =	vld [tilespmem:$0x1F950];
	vm5 =	vgt.f32 v9, v13  }
0xc3: {  	v6 =	vsel vm5, v9, v13;
	v13 =	vld [tilespmem:$0xF20];
	[tilespmem:$0x1FD00] =	vst v50  }
0xc4: {  	[tilespmem:$0x1FD60] =	vst v54;
	v54 =	vld [tilespmem:$0xF0]  }
0xc5: {  	v50 =	vld [tilespmem:$0x2F0];
	[tilespmem:$0x1FC30] =	vst v60  }
0xc6: {  	v60 =	vld [tilespmem:$0xCF0];
	[tilespmem:$0x1FE70] =	vst v62;
	v62 =	vadd.f32 $9.999999970e-07, v28  }
0xc7: {  	[tilespmem:$0x1FD40] =	vst v42;
	v42 =	vld [tilespmem:$0xB20]  }
0xc8: {  	vm1 =	vgt.f32 v8, v11;
	(erf) = vrcp.f32 v62;
	v62 =	vld [tilespmem:$0x920]  }
0xc9: {  	vm13 =	vgt.f32 v48, v6;
	v48 =	vsel vm1, v8, v11;
	v8 =	vld [tilespmem:$0x730]  }
0xca: {  	v11 =	vld [tilespmem:$0x930]  }
0xcb: {  	[tilespmem:$0x1FE00] =	vst v60;
	v60 =	vld [tilespmem:$0x100]  }
0xcc: {  	v2 =	vadd.f32 $9.999999970e-07, v33;
	[tilespmem:$0x1FE90] =	vst v42;
	v42 =	vld [tilespmem:$0x1F8C0]  }
0xcd: {  	v12 =	vadd.f32 $9.999999970e-07, v37;
	[tilespmem:$0x1FDB0] =	vst v62;
	v62 =	vld [tilespmem:$0x1F8B0]  }
0xce: {  	v10 =	vadd.f32 $9.999999970e-07, v45;
	[tilespmem:$0x1FEC0] =	vst v13;
	v13 =	vld [tilespmem:$0x1F8F0];
	(erf) = vrcp.f32 v2  }
0xcf: {  	v46 =	vadd.f32 $9.999999970e-07, v52;
	v9 =	vpop (erf);
	[tilespmem:$0x1FDE0] =	vst v11;
	v11 =	vld [tilespmem:$0x1F930];
	(erf) = vrcp.f32 v12  }
0xd0: {  	[tilespmem:$0x1FC20] =	vst v60;
	v60 =	vld [tilespmem:$0x300];
	(erf) = vrcp.f32 v10  }
0xd1: {  	(erf) = vrcp.f32 v46;
	v46 =	vld [tilespmem:$0x540]  }
0xd2: {  	vm15 =	vgt.f32 v62, v0;
	v0 =	vmul.f32 v9, v42;
	v9 =	vld [tilespmem:$0x1F8E0]  }
0xd3: {  	v42 =	vld [tilespmem:$0x1F900]  }
0xd4: {  	v0 =	vsel vm6, v0, v27;
	v27 =	vld [tilespmem:$0x530];
	vm6 =	vgt.f32 v15, v48  }
0xd5: {  	v0 =	vsel vm14, v53, v0;
	v2 =	vsel vm6, v15, v48;
	v48 =	vld [tilespmem:$0xF30]  }
0xd6: {  	v53 =	vld [tilespmem:$0x1F910];
	v0 =	vsel vm11, v13, v0  }
0xd7: {  	v12 =	vimm.s32 $0x0;
	v62 =	vpop (erf);
	[tilespmem:$0x1FF40] =	vst v0;
	v0 =	vld [tilespmem:$0x140]  }
0xd8: {  	vm14 =	vgt.f32 v55, v2;
	vm11 =	vgt.f32 v16, v17;
	v1 =	vmul.f32 v62, v9;
	v62 =	vld [tilespmem:$0x1F920]  }
0xd9: {  	v55 =	vadd.f32 $9.999999970e-07, v47;
	v2 =	vsel vm14, $0xFFFFFFFF, v12;
	v16 =	vsel vm11, v16, v17;
	v17 =	vpop (erf);
	v12 =	vld [tilespmem:$0x1F940]  }
0xda: {  	[tilespmem:$0x1FAB0] =	vst v2;
	v2 =	vmul.f32 v17, v42;
	v42 =	vld [tilespmem:$0x340]  }
0xdb: {  	(erf) = vrcp.f32 v55;
	v55 =	vld [tilespmem:$0x1F990]  }
0xdc: {  	vm14 =	vgt.f32 v18, v16;
	v15 =	vsel vm12, v1, v28;
	v28 =	vld [tilespmem:$0xD30]  }
0xdd: {  	v1 =	vsel vm14, v18, v16;
	v16 =	vld [tilespmem:$0x740]  }
0xde: {  	v18 =	vadd.f32 $9.999999970e-07, v58;
	v6 =	vsel vm2, v53, v15;
	v15 =	vld [tilespmem:$0x1F960]  }
0xdf: {  	v53 =	vld [tilespmem:$0xF40]  }
0xe0: {  	v13 =	vpop (erf);
	v10 =	vsel vm0, v2, v33;
	v2 =	vsel vm15, v11, v6;
	(erf) = vrcp.f32 v18;
	v18 =	vld [tilespmem:$0xF50]  }
0xe1: {  	[tilespmem:$0x1FF80] =	vst v2;
	v2 =	vld [tilespmem:$0x940]  }
0xe2: {  	vm2 =	vgt.f32 v62, v1;
	v62 =	vld [tilespmem:$0x1F9A0]  }
0xe3: {  	vm12 =	vgt.f32 v19, v20;
	v1 =	vsel vm8, v12, v10;
	v12 =	vld [tilespmem:$0x1F9B0]  }
0xe4: {  	v20 =	vsel vm12, v19, v20;
	v10 =	vld [tilespmem:$0x170]  }
0xe5: {  	vm8 =	vgt.f32 v23, v20;
	v1 =	vsel vm10, v14, v1;
	v14 =	vld [tilespmem:$0x1F9C0]  }
0xe6: {  	vm10 =	vgt.f32 v21, v22;
	v33 =	vsel vm8, v23, v20;
	v20 =	vld [tilespmem:$0x1F9D0]  }
0xe7: {  	v17 =	vsel vm10, v21, v22;
	v21 =	vld [tilespmem:$0xB40]  }
0xe8: {  	v22 =	vld [tilespmem:$0xD40]  }
0xe9: {  	[tilespmem:$0x1FF90] =	vst v1;
	v1 =	vmul.f32 v13, v15;
	v13 =	vld [tilespmem:$0x1F980]  }
0xea: {  	vm0 =	vgt.f32 v24, v17;
	[tilespmem:$0x1FF50] =	vst v53;
	v53 =	vld [tilespmem:$0x150]  }
0xeb: {  	[tilespmem:$0x1FEB0] =	vst v5;
	v5 =	vsel vm0, v24, v17;
	v24 =	vld [tilespmem:$0x1F970];
	v1 =	vsel vm3, v1, v37  }
0xec: {  	v1 =	vsel vm5, v55, v1;
	v55 =	vld [tilespmem:$0x550]  }
0xed: {  	[tilespmem:$0x1FEF0] =	vst v21;
	v21 =	vld [tilespmem:$0x1F9E0]  }
0xee: {  	[tilespmem:$0x1FF20] =	vst v22;
	v1 =	vsel vm13, v14, v1;
	vm13 =	vgt.f32 v25, v26;
	v22 =	vld [tilespmem:$0x1F9F0]  }
0xef: {  	[tilespmem:$0x1FDF0] =	vst v16;
	v16 =	vsel vm13, v25, v26;
	v25 =	vld [tilespmem:$0x1FA10]  }
0xf0: {  	[tilespmem:$0x1FF10] =	vst v48;
	v48 =	vadd.f32 $9.999999970e-07, v13;
	v26 =	vld [tilespmem:$0x1FA20]  }
0xf1: {  	vm15 =	vgt.f32 v24, v5;
	v24 =	vld [tilespmem:$0x1FA00]  }
0xf2: {  	[tilespmem:$0x1FEE0] =	vst v28;
	v28 =	vimm.s32 $0x0;
	v37 =	vpop (erf);
	(erf) = vrcp.f32 v48;
	v48 =	vld [tilespmem:$0x350]  }
0xf3: {  	v19 =	vadd.f32 $9.999999970e-07, v20;
	v5 =	vsel vm15, $0xFFFFFFFF, v28;
	vm15 =	vgt.f32 v62, v33;
	v33 =	vld [tilespmem:$0x1FA30]  }
0xf4: {  	v11 =	vimm.s32 $0x0;
	v62 =	vld [tilespmem:$0x160]  }
0xf5: {  	v17 =	vpop (erf);
	[tilespmem:$0x1FB50] =	vst v5;
	v5 =	vsel vm15, $0xFFFFFFFF, v11;
	(erf) = vrcp.f32 v19;
	v19 =	vld [tilespmem:$0x1FA50]  }
0xf6: {  	vm15 =	vgt.f32 v29, v16;
	[tilespmem:$0x1FB70] =	vst v5;
	v5 =	vmul.f32 v37, v12;
	v12 =	vld [tilespmem:$0x950]  }
0xf7: {  	v6 =	vsel vm15, v29, v16;
	v29 =	vld [tilespmem:$0xB50]  }
0xf8: {  	vm5 =	vgt.f32 v25, v6;
	v25 =	vld [tilespmem:$0x1FB10]  }
0xf9: {  	[tilespmem:$0x1FDD0] =	vst v8;
	v8 =	vmul.f32 v17, v22;
	v15 =	vsel vm4, v5, v45;
	v5 =	vld [tilespmem:$0x750]  }
0xfa: {  	v23 =	vpop (erf);
	v45 =	vld [tilespmem:$0xD50]  }
0xfb: {  	v9 =	vmul.f32 v23, v24;
	v28 =	vsel vm1, v8, v52;
	v24 =	vld [tilespmem:$0x560]  }
0xfc: {  	v7 =	vsel vm6, v33, v28;
	v33 =	vld [tilespmem:$0x1FA90]  }
0xfd: {  	[tilespmem:$0x1FFA0] =	vst v1;
	v1 =	vsel vm9, v21, v15;
	v15 =	vld [tilespmem:$0xF70]  }
0xfe: {  	v17 =	vpop (erf);
	v37 =	vsel vm11, v9, v47;
	v47 =	vld [tilespmem:$0x1FA40]  }
0xff: {  	v6 =	vmul.f32 v17, v19;
	v17 =	vld [tilespmem:$0x1FA60]  }
0x100: {  	vm9 =	vgt.f32 v30, v31;
	v1 =	vsel vm7, v26, v1;
	v26 =	vld [tilespmem:$0x1FA70]  }
0x101: {  	vm6 =	vgt.f32 v32, v34;
	v21 =	vsel vm9, v30, v31;
	v31 =	vld [tilespmem:$0x1FA80]  }
0x102: {  	v16 =	vsel vm6, v32, v34;
	v34 =	vld [tilespmem:$0x1FAA0]  }
0x103: {  	v19 =	vld [tilespmem:$0x1FAE0]  }
0x104: {  	[tilespmem:$0x1FFB0] =	vst v1;
	vm4 =	vgt.f32 v35, v21;
	v1 =	vld [tilespmem:$0x360]  }
0x105: {  	[tilespmem:$0x1FF00] =	vst v29;
	vm11 =	vgt.f32 v36, v16;
	v29 =	vsel vm4, v35, v21;
	v35 =	vld [tilespmem:$0x1FAB0]  }
0x106: {  	v22 =	vsel vm11, v36, v16;
	v36 =	vld [tilespmem:$0x1FAC0]  }
0x107: {  	v16 =	vld [tilespmem:$0x1FAF0]  }
0x108: {  	v21 =	vld [tilespmem:$0xD60];
	v30 =	vpop (erf)  }
0x109: {  	v9 =	vmul.f32 v30, v33;
	v30 =	vld [tilespmem:$0x1FB30]  }
0x10a: {  	v33 =	vld [tilespmem:$0x1FB50]  }
0x10b: {  	v52 =	vsel vm14, v47, v37;
	v37 =	vld [tilespmem:$0x1FAD0]  }
0x10c: {  	v28 =	vsel vm10, v6, v58;
	vm10 =	vgt.f32 v31, v29;
	v29 =	vld [tilespmem:$0x1FB00]  }
0x10d: {  	vm14 =	vgt.f32 v26, v22;
	v26 =	vld [tilespmem:$0x1FB20]  }
0x10e: {  	v32 =	vimm.s32 $0x0;
	v47 =	vsel vm12, v9, v13;
	v9 =	vld [tilespmem:$0xB60]  }
0x10f: {  	v6 =	vsel vm10, $0xFFFFFFFF, v32;
	v32 =	vld [tilespmem:$0x1FB40]  }
0x110: {  	vm10 =	vgt.f32 v40, v41;
	[tilespmem:$0x1FCA0] =	vst v6;
	v6 =	vld [tilespmem:$0x760]  }
0x111: {  	[tilespmem:$0x1FF60] =	vst v18;
	v18 =	vsel vm10, v40, v41;
	v41 =	vld [tilespmem:$0x570]  }
0x112: {  	vm7 =	vnez.u8 v35;
	v35 =	vld [tilespmem:$0x1FB70]  }
0x113: {  	v23 =	vadd.f32 $9.999999970e-07, v17;
	v11 =	vsel vm8, v25, v47;
	v25 =	vld [tilespmem:$0x1FBE0]  }
0x114: {  	v58 =	vadd.f32 $9.999999970e-07, v19;
	[tilespmem:$0x1FF70] =	vst v21;
	v21 =	vld [tilespmem:$0xF80]  }
0x115: {  	(erf) = vrcp.f32 v23;
	v7 =	vsel vm7, v34, v7;
	v34 =	vld [tilespmem:$0x1FB60]  }
0x116: {  	(erf) = vrcp.f32 v58;
	v58 =	vld [tilespmem:$0x1FBD0]  }
0x117: {  	[tilespmem:$0x1FFC0] =	vst v7;
	v7 =	vsel vm2, v36, v52;
	v36 =	vld [tilespmem:$0x960]  }
0x118: {  	v52 =	vpop (erf);
	[tilespmem:$0x1FFD0] =	vst v7;
	v7 =	vld [tilespmem:$0xF60]  }
0x119: {  	vm1 =	vgt.f32 v49, v51;
	v13 =	vmul.f32 v52, v16;
	v52 =	vld [tilespmem:$0x370]  }
0x11a: {  	[tilespmem:$0x1FF30] =	vst v45;
	vm12 =	vgt.f32 v44, v18;
	vm2 =	vgt.f32 v38, v39;
	v45 =	vsel vm0, v37, v28;
	v37 =	vld [tilespmem:$0x1FB80]  }
0x11b: {  	v47 =	vsel vm1, v49, v51;
	v14 =	vsel vm12, v44, v18;
	v22 =	vsel vm2, v38, v39;
	v39 =	vld [tilespmem:$0x1FB90]  }
0x11c: {  	vm7 =	vgt.f32 v26, v14;
	vm0 =	vgt.f32 v59, v47;
	v26 =	vld [tilespmem:$0x1FBF0]  }
0x11d: {  	vm3 =	vgt.f32 v43, v22;
	v51 =	vsel vm0, v59, v47;
	v47 =	vld [tilespmem:$0x1FC30]  }
0x11e: {  	v28 =	vsel vm3, v43, v22;
	v22 =	vld [tilespmem:$0xB70]  }
0x11f: {  	v13 =	vsel vm13, v13, v20;
	v20 =	vld [tilespmem:$0x380]  }
0x120: {  	vm13 =	vnez.u8 v33;
	v33 =	vld [tilespmem:$0x1FC20]  }
0x121: {  	vm8 =	vgt.f32 v30, v28;
	v28 =	vld [tilespmem:$0x1FBA0]  }
0x122: {  	v40 =	vsel vm13, v32, v45;
	v45 =	vld [tilespmem:$0x1FBB0]  }
0x123: {  	v30 =	vld [tilespmem:$0x1FC00]  }
0x124: {  	v31 =	vimm.s32 $0x0;
	v32 =	vld [tilespmem:$0x1FC10]  }
0x125: {  	v14 =	vsel vm8, $0xFFFFFFFF, v31;
	vm8 =	vnez.u8 v35;
	v38 =	vsel vm15, v37, v13;
	v13 =	vld [tilespmem:$0x970]  }
0x126: {  	v8 =	vsel vm8, v34, v11;
	v34 =	vld [tilespmem:$0x1FBC0]  }
0x127: {  	[tilespmem:$0x1FD80] =	vst v14;
	v14 =	vld [tilespmem:$0xD70]  }
0x128: {  	v37 =	vld [tilespmem:$0x1FC90]  }
0x129: {  	vm8 =	vgt.f32 v58, v51;
	v51 =	vld [tilespmem:$0x1FCD0]  }
0x12a: {  	[tilespmem:$0x1FFE0] =	vst v8;
	v8 =	vld [tilespmem:$0x770]  }
0x12b: {  	v11 =	vsel vm5, v39, v38;
	v38 =	vld [tilespmem:$0x780]  }
0x12c: {  	vm5 =	vgt.f32 v50, v54;
	v39 =	vld [tilespmem:$0x1FCA0]  }
0x12d: {  	v43 =	vpop (erf);
	v54 =	vsel vm5, v50, v54;
	v50 =	vld [tilespmem:$0x1FCC0]  }
0x12e: {  	[tilespmem:$0x1FFF0] =	vst v11;
	v59 =	vpop (erf);
	v11 =	vmul.f32 v43, v45;
	v45 =	vld [tilespmem:$0xB80]  }
0x12f: {  	v23 =	vadd.f32 $9.999999970e-07, v29;
	v16 =	vmul.f32 v59, v26;
	v26 =	vld [tilespmem:$0xD80]  }
0x130: {  	[tilespmem:$0x1070] =	vst v40;
	v44 =	vadd.f32 $9.999999970e-07, v28;
	v40 =	vld [tilespmem:$0x1FFF0]  }
0x131: {  	(erf) = vrcp.f32 v23;
	v11 =	vsel vm6, v11, v17;
	v17 =	vld [tilespmem:$0x180]  }
0x132: {  	(erf) = vrcp.f32 v44;
	vm6 =	vgt.f32 v63, v54;
	v44 =	vld [tilespmem:$0x1FCB0]  }
0x133: {  	v18 =	vsel vm6, v63, v54;
	v63 =	vld [tilespmem:$0x1FC50]  }
0x134: {  	v49 =	vadd.f32 $9.999999970e-07, v34;
	v11 =	vsel vm11, v25, v11;
	v25 =	vld [tilespmem:$0x980]  }
0x135: {  	v35 =	vsel vm9, v16, v19;
	vm9 =	vnez.u8 v39;
	v39 =	vld [tilespmem:$0x390]  }
0x136: {  	v31 =	vimm.s32 $0x0;
	(erf) = vrcp.f32 v49;
	vm13 =	vgt.f32 v30, v18;
	v49 =	vld [tilespmem:$0x1FC60]  }
0x137: {  	v43 =	vsel vm14, v32, v11;
	v32 =	vld [tilespmem:$0x1FC70];
	v18 =	vsel vm13, $0xFFFFFFFF, v31;
	vm13 =	vgt.f32 v60, v33  }
0x138: {  	v54 =	vsel vm13, v60, v33;
	v60 =	vld [tilespmem:$0x1FC40]  }
0x139: {  	v59 =	vadd.f32 $9.999999970e-07, v47;
	v30 =	vld [tilespmem:$0x990]  }
0x13a: {  	v33 =	vld [tilespmem:$0x1FC80]  }
0x13b: {  	(erf) = vrcp.f32 v59;
	v59 =	vld [tilespmem:$0x1FCF0]  }
0x13c: {  	v58 =	vpop (erf);
	[tilespmem:$0x1FE40] =	vst v18;
	v18 =	vld [tilespmem:$0x580];
	v31 =	vadd.f32 $9.999999970e-07, v49  }
0x13d: {  	vm15 =	vgt.f32 v63, v54;
	v19 =	vmul.f32 v58, v60;
	v58 =	vld [tilespmem:$0x1FCE0]  }
0x13e: {  	v16 =	vsel vm15, v63, v54;
	(erf) = vrcp.f32 v31;
	v31 =	vld [tilespmem:$0x190]  }
0x13f: {  	v11 =	vsel vm4, v32, v35;
	v35 =	vimm.s32 $0x0;
	vm14 =	vgt.f32 v33, v16;
	v33 =	vld [tilespmem:$0x1FD00]  }
0x140: {  	v16 =	vsel vm14, $0xFFFFFFFF, v35;
	v35 =	vld [tilespmem:$0x1FD10]  }
0x141: {  	vm14 =	vgt.f32 v51, v50;
	v19 =	vsel vm10, v19, v29;
	v29 =	vld [tilespmem:$0x590]  }
0x142: {  	v54 =	vpop (erf);
	[tilespmem:$0x1FE60] =	vst v16;
	v16 =	vsel vm9, v37, v11;
	v60 =	vsel vm14, v51, v50;
	v50 =	vld [tilespmem:$0x1FD30];
	v11 =	vsel vm12, v44, v19  }
0x143: {  	v32 =	vsel vm7, v58, v11;
	v11 =	vmul.f32 v54, v59;
	v54 =	vld [tilespmem:$0x1FD20]  }
0x144: {  	vm7 =	vgt.f32 v56, v57;
	v59 =	vld [tilespmem:$0x1FD50]  }
0x145: {  	v63 =	vpop (erf);
	v37 =	vsel vm7, v56, v57;
	v57 =	vld [tilespmem:$0x1FD40]  }
0x146: {  	v23 =	vmul.f32 v63, v33;
	v63 =	vld [tilespmem:$0x1FD80]  }
0x147: {  	[tilespmem:$0x10C0] =	vst v32;
	v32 =	vld [tilespmem:$0x7E0]  }
0x148: {  	vm12 =	vgt.f32 v35, v60;
	v11 =	vsel vm2, v11, v28;
	vm2 =	vgt.f32 v61, v37;
	v28 =	vld [tilespmem:$0x790]  }
0x149: {  	v19 =	vsel vm12, v35, v60;
	v60 =	vld [tilespmem:$0x1FD60];
	v56 =	vsel vm2, v61, v37  }
0x14a: {  	vm10 =	vgt.f32 v57, v56;
	v56 =	vld [tilespmem:$0x1FDB0]  }
0x14b: {  	v35 =	vld [tilespmem:$0x1FD90]  }
0x14c: {  	v51 =	vsel vm1, v23, v34;
	v34 =	vld [tilespmem:$0x1A0]  }
0x14d: {  	v61 =	vld [tilespmem:$0x1FD70]  }
0x14e: {  	vm1 =	vgt.f32 v42, v0;
	vm4 =	vgt.f32 v50, v19;
	v50 =	vld [tilespmem:$0x1FDA0];
	v44 =	vadd.f32 $9.999999970e-07, v54  }
0x14f: {  	v11 =	vsel vm3, v59, v11;
	v59 =	vsel vm1, v42, v0;
	v0 =	vld [tilespmem:$0x3A0];
	v57 =	vadd.f32 $9.999999970e-07, v56  }
0x150: {  	v37 =	vpop (erf);
	(erf) = vrcp.f32 v44;
	v19 =	vsel vm0, v60, v51;
	v60 =	vld [tilespmem:$0x1FDD0]  }
0x151: {  	v58 =	vimm.s32 $0x0;
	vm11 =	vnez.u8 v63;
	v51 =	vpop (erf);
	(erf) = vrcp.f32 v57;
	v57 =	vld [tilespmem:$0x1FDE0]  }
0x152: {  	v23 =	vsel vm10, $0xFFFFFFFF, v58;
	v58 =	vld [tilespmem:$0x1FDC0];
	v19 =	vsel vm8, v35, v19;
	vm8 =	vgt.f32 v3, v4  }
0x153: {  	[tilespmem:$0x1FED0] =	vst v23;
	v23 =	vsel vm11, v61, v11;
	v11 =	vmul.f32 v37, v50;
	v50 =	vld [tilespmem:$0x1FE00];
	v3 =	vsel vm8, v3, v4  }
0x154: {  	v44 =	vld [tilespmem:$0xB90];
	vm10 =	vgt.f32 v27, v3  }
0x155: {  	vm9 =	vgt.f32 v46, v59;
	v35 =	vld [tilespmem:$0xD90];
	v3 =	vsel vm10, v27, v3  }
0x156: {  	v33 =	vsel vm9, v46, v59;
	vm11 =	vgt.f32 v60, v3;
	v60 =	vld [tilespmem:$0x1FE20];
	v63 =	vadd.f32 $9.999999970e-07, v57  }
0x157: {  	v59 =	vadd.f32 $9.999999970e-07, v2;
	v37 =	vld [tilespmem:$0xF90];
	v61 =	vsel vm5, v11, v47;
	v4 =	vmul.f32 v51, v58  }
0x158: {  	v11 =	vld [tilespmem:$0x7A0];
	v46 =	vsel vm6, v50, v61;
	v61 =	vadd.f32 $9.999999970e-07, v12;
	(erf) = vrcp.f32 v63  }
0x159: {  	v4 =	vsel vm13, v4, v49;
	v49 =	vld [tilespmem:$0x1FDF0];
	(erf) = vrcp.f32 v59  }
0x15a: {  	v58 =	vpop (erf);
	(erf) = vrcp.f32 v61;
	v61 =	vld [tilespmem:$0x1FE40]  }
0x15b: {  	v42 =	vmul.f32 v58, v60;
	v60 =	vld [tilespmem:$0x1FE30]  }
0x15c: {  	v27 =	vld [tilespmem:$0x5A0]  }
0x15d: {  	v51 =	vld [tilespmem:$0x1FE10]  }
0x15e: {  	v3 =	vld [tilespmem:$0xDA0]  }
0x15f: {  	v50 =	vld [tilespmem:$0x3B0];
	v63 =	vadd.f32 $9.999999970e-07, v36;
	vm13 =	vnez.u8 v61  }
0x160: {  	vm5 =	vgt.f32 v49, v33;
	v49 =	vsel vm13, v60, v46;
	v46 =	vld [tilespmem:$0x1FE60]  }
0x161: {  	vm0 =	vgt.f32 v48, v53;
	(erf) = vrcp.f32 v63;
	v63 =	vld [tilespmem:$0x1FE50]  }
0x162: {  	v48 =	vsel vm0, v48, v53;
	v47 =	vsel vm15, v51, v4;
	v4 =	vld [tilespmem:$0x9A0]  }
0x163: {  	vm6 =	vgt.f32 v55, v48;
	v51 =	vld [tilespmem:$0xBA0]  }
0x164: {  	v59 =	vsel vm6, v55, v48;
	v55 =	vld [tilespmem:$0x1FE70]  }
0x165: {  	v60 =	vld [tilespmem:$0x1FE90];
	vm13 =	vnez.u8 v46  }
0x166: {  	v58 =	vsel vm14, v42, v54;
	v42 =	vsel vm13, v63, v47;
	v63 =	vld [tilespmem:$0x1FEA0]  }
0x167: {  	v33 =	vld [tilespmem:$0xFA0]  }
0x168: {  	vm3 =	vgt.f32 v5, v59;
	v59 =	vld [tilespmem:$0x1FE80]  }
0x169: {  	v54 =	vadd.f32 $9.999999970e-07, v13;
	vm14 =	vgt.f32 v1, v62;
	v48 =	vld [tilespmem:$0x1B0];
	v5 =	vsel vm12, v55, v58;
	v58 =	vpop (erf)  }
0x16a: {  	v1 =	vsel vm14, v1, v62;
	v61 =	vadd.f32 $9.999999970e-07, v25;
	v62 =	vpop (erf);
	v53 =	vmul.f32 v58, v60;
	v60 =	vld [tilespmem:$0x1FEB0]  }
0x16b: {  	(erf) = vrcp.f32 v54;
	v54 =	vmul.f32 v62, v63;
	v62 =	vld [tilespmem:$0x1FED0]  }
0x16c: {  	(erf) = vrcp.f32 v61;
	v61 =	vld [tilespmem:$0x1FEC0]  }
0x16d: {  	v55 =	vld [tilespmem:$0x9B0];
	v5 =	vsel vm4, v59, v5;
	vm4 =	vgt.f32 v52, v10  }
0x16e: {  	v10 =	vsel vm4, v52, v10;
	v52 =	vld [tilespmem:$0xBB0];
	vm13 =	vgt.f32 v24, v1  }
0x16f: {  	[tilespmem:$0x10F0] =	vst v49;
	v49 =	vld [tilespmem:$0xBF0];
	v53 =	vsel vm7, v53, v56;
	v1 =	vsel vm13, v24, v1  }
0x170: {  	v46 =	vld [tilespmem:$0x7B0];
	vm12 =	vgt.f32 v6, v1;
	v1 =	vsel vm2, v60, v53;
	vm15 =	vnez.u8 v62  }
0x171: {  	v1 =	vsel vm15, v61, v1;
	v61 =	vld [tilespmem:$0x1FEE0]  }
0x172: {  	v58 =	vld [tilespmem:$0x5C0]  }
0x173: {  	v47 =	vld [tilespmem:$0x5B0]  }
0x174: {  	vm7 =	vgt.f32 v41, v10;
	v56 =	vld [tilespmem:$0xDB0]  }
0x175: {  	v24 =	vld [tilespmem:$0xFB0];
	v10 =	vsel vm7, v41, v10;
	v63 =	vsel vm8, v54, v57  }
0x176: {  	vm2 =	vgt.f32 v8, v10;
	v10 =	vsel vm10, v61, v63;
	v63 =	vld [tilespmem:$0x1FF00]  }
0x177: {  	[tilespmem:$0x1100] =	vst v42;
	v42 =	vld [tilespmem:$0xFE0];
	v53 =	vadd.f32 $9.999999970e-07, v30  }
0x178: {  	v8 =	vld [tilespmem:$0x1C0]  }
0x179: {  	v6 =	vpop (erf);
	(erf) = vrcp.f32 v53;
	v53 =	vld [tilespmem:$0x7C0]  }
0x17a: {  	v60 =	vpop (erf);
	v62 =	vld [tilespmem:$0x1FEF0]  }
0x17b: {  	v61 =	vld [tilespmem:$0x1FF10];
	v41 =	vmul.f32 v60, v63;
	v60 =	vpop (erf)  }
0x17c: {  	v9 =	vmul.f32 v60, v9;
	v60 =	vld [tilespmem:$0x1FF30]  }
0x17d: {  	v54 =	vld [tilespmem:$0x3C0]  }
0x17e: {  	v57 =	vld [tilespmem:$0xBC0]  }
0x17f: {  	v6 =	vmul.f32 v6, v62;
	v63 =	vld [tilespmem:$0x1FF20]  }
0x180: {  	v62 =	vsel vm0, v41, v12;
	v41 =	vld [tilespmem:$0x9C0]  }
0x181: {  	v2 =	vsel vm1, v6, v2;
	v10 =	vsel vm11, v61, v10;
	v61 =	vpop (erf);
	v6 =	vsel vm6, v60, v62;
	v62 =	vld [tilespmem:$0x1FF40]  }
0x182: {  	v22 =	vmul.f32 v61, v22;
	v61 =	vld [tilespmem:$0x1FF70]  }
0x183: {  	v9 =	vsel vm14, v9, v36;
	v36 =	vld [tilespmem:$0xDC0]  }
0x184: {  	v59 =	vpop (erf);
	v2 =	vsel vm9, v63, v2;
	v63 =	vld [tilespmem:$0x1FF50]  }
0x185: {  	v13 =	vsel vm4, v22, v13;
	v22 =	vmul.f32 v59, v45;
	v59 =	vld [tilespmem:$0x1FFA0]  }
0x186: {  	v12 =	vadd.f32 $9.999999970e-07, v4;
	[tilespmem:$0x1000] =	vst v62;
	v62 =	vld [tilespmem:$0x1FF80]  }
0x187: {  	v45 =	vld [tilespmem:$0x1FFC0]  }
0x188: {  	(erf) = vrcp.f32 v12;
	v12 =	vadd.f32 $9.999999970e-07, v55;
	v60 =	vld [tilespmem:$0x1FF60]  }
0x189: {  	v2 =	vsel vm5, v63, v2;
	v63 =	vld [tilespmem:$0x1FF90]  }
0x18a: {  	(erf) = vrcp.f32 v12;
	v12 =	vld [tilespmem:$0x1D0]  }
0x18b: {  	vm10 =	vgt.f32 v0, v34;
	v9 =	vsel vm13, v61, v9;
	v61 =	vsel vm7, v14, v13;
	[tilespmem:$0x1010] =	vst v62;
	v62 =	vld [tilespmem:$0x1FFB0]  }
0x18c: {  	vm4 =	vgt.f32 v20, v17;
	v7 =	vsel vm12, v7, v9;
	v9 =	vsel vm2, v15, v61;
	v61 =	vld [tilespmem:$0x1FFD0]  }
0x18d: {  	v0 =	vsel vm10, v0, v34;
	v25 =	vsel vm4, v22, v25;
	v22 =	vld [tilespmem:$0x5D0];
	[tilespmem:$0x1030] =	vst v59  }
0x18e: {  	vm11 =	vgt.f32 v27, v0;
	v13 =	vld [tilespmem:$0x9D0];
	v59 =	vadd.f32 $9.999999970e-07, v41;
	[tilespmem:$0x1020] =	vst v63;
	v63 =	vsel vm4, v20, v17  }
0x18f: {  	v0 =	vsel vm11, v27, v0;
	v6 =	vsel vm3, v60, v6;
	v60 =	vld [tilespmem:$0xFC0];
	vm5 =	vgt.f32 v18, v63  }
0x190: {  	vm12 =	vgt.f32 v50, v48;
	v17 =	vld [tilespmem:$0x3D0];
	v14 =	vsel vm5, v18, v63;
	[tilespmem:$0x1040] =	vst v62;
	v62 =	vpop (erf);
	(erf) = vrcp.f32 v59  }
0x191: {  	[tilespmem:$0x1060] =	vst v61;
	v61 =	vsel vm12, v50, v48;
	v15 =	vsel vm5, v26, v25;
	v26 =	vld [tilespmem:$0x9E0];
	vm8 =	vgt.f32 v38, v14  }
0x192: {  	vm6 =	vgt.f32 v39, v31;
	vm13 =	vgt.f32 v47, v61;
	v15 =	vsel vm8, v21, v15;
	v21 =	vld [tilespmem:$0x9F0]  }
0x193: {  	[tilespmem:$0x1090] =	vst v40;
	v20 =	vld [tilespmem:$0x7D0];
	v34 =	vsel vm13, v47, v61;
	v63 =	vsel vm6, v39, v31;
	v39 =	vadd.f32 $9.999999970e-07, v13  }
0x194: {  	[tilespmem:$0x10A0] =	vst v43;
	vm14 =	vgt.f32 v11, v0;
	vm4 =	vgt.f32 v54, v8;
	v47 =	vld [tilespmem:$0x3F0];
	vm15 =	vgt.f32 v46, v34  }
0x195: {  	[tilespmem:$0x10B0] =	vst v16;
	v8 =	vsel vm4, v54, v8;
	v54 =	vld [tilespmem:$0x7F0];
	v18 =	vmul.f32 v62, v44;
	v44 =	vpop (erf);
	(erf) = vrcp.f32 v39  }
0x196: {  	[tilespmem:$0x10D0] =	vst v23;
	v31 =	vld [tilespmem:$0x1FFE0];
	vm7 =	vgt.f32 v29, v63;
	v14 =	vmul.f32 v44, v51;
	v51 =	vadd.f32 $9.999999970e-07, v26  }
0x197: {  	[tilespmem:$0x10E0] =	vst v19;
	v25 =	vld [tilespmem:$0xBD0];
	v38 =	vsel vm7, v29, v63;
	v18 =	vsel vm6, v18, v30;
	v63 =	vadd.f32 $9.999999970e-07, v21  }
0x198: {  	[tilespmem:$0x1050] =	vst v45;
	vm9 =	vgt.f32 v28, v38;
	v59 =	vld [tilespmem:$0x3E0];
	v45 =	vpop (erf);
	v18 =	vsel vm7, v35, v18;
	(erf) = vrcp.f32 v51  }
0x199: {  	[tilespmem:$0x1110] =	vst v5;
	vm5 =	vgt.f32 v17, v12;
	v16 =	vsel vm9, v37, v18;
	v18 =	vld [tilespmem:$0x1E0];
	v35 =	vpop (erf);
	(erf) = vrcp.f32 v63  }
0x19a: {  	[tilespmem:$0x1120] =	vst v1;
	v46 =	vsel vm5, v17, v12;
	v62 =	vld [tilespmem:$0x5E0];
	v52 =	vmul.f32 v45, v52;
	vm6 =	vgt.f32 v58, v8  }
0x19b: {  	[tilespmem:$0x1130] =	vst v10;
	v44 =	vld [tilespmem:$0x1F0];
	v4 =	vsel vm10, v14, v4;
	v48 =	vsel vm6, v58, v8;
	vm7 =	vgt.f32 v22, v46  }
0x19c: {  	v28 =	vld [tilespmem:$0xDD0];
	[tilespmem:$0x1080] =	vst v31;
	v3 =	vsel vm11, v3, v4;
	v31 =	vsel vm12, v52, v55;
	vm8 =	vgt.f32 v53, v48  }
0x19d: {  	[tilespmem:$0x1160] =	vst v7;
	v37 =	vld [tilespmem:$0xBE0];
	v51 =	vsel vm7, v22, v46;
	v4 =	vsel vm13, v56, v31;
	v3 =	vsel vm14, v33, v3  }
0x19e: {  	[tilespmem:$0x1170] =	vst v9;
	v29 =	vld [tilespmem:$0xFD0];
	vm9 =	vgt.f32 v20, v51;
	v38 =	vmul.f32 v35, v57;
	v43 =	vpop (erf);
	vm10 =	vgt.f32 v59, v18  }
0x19f: {  	[tilespmem:$0x1140] =	vst v2;
	v52 =	vld [tilespmem:$0x5F0];
	v40 =	vsel vm15, v24, v4;
	v45 =	vmul.f32 v43, v25;
	v56 =	vsel vm10, v59, v18  }
0x1a0: {  	[tilespmem:$0x1150] =	vst v6;
	v39 =	vld [tilespmem:$0xDE0];
	vm11 =	vgt.f32 v47, v44;
	v0 =	vsel vm4, v38, v41;
	vm12 =	vgt.f32 v62, v56  }
0x1a1: {  	[tilespmem:$0x1180] =	vst v15;
	v55 =	vld [tilespmem:$0xDF0];
	v0 =	vsel vm6, v36, v0;
	v50 =	vpop (erf);
	v2 =	vsel vm5, v45, v13;
	v61 =	vsel vm12, v62, v56  }
0x1a2: {  	v58 =	vld [tilespmem:$0xFF0];
	[tilespmem:$0x1190] =	vst v16;
	v2 =	vsel vm7, v28, v2;
	v53 =	vmul.f32 v50, v37;
	v0 =	vsel vm8, v60, v0;
	v57 =	vpop (erf)  }
0x1a3: {  	[tilespmem:$0x11A0] =	vst v3;
	v60 =	vsel vm11, v47, v44;
	vm14 =	vgt.f32 v32, v61;
	v59 =	vmul.f32 v57, v49  }
0x1a4: {  	[tilespmem:$0x11B0] =	vst v40;
	v2 =	vsel vm9, v29, v2;
	vm13 =	vgt.f32 v52, v60;
	v6 =	vsel vm10, v53, v26  }
0x1a5: {  	[tilespmem:$0x11C0] =	vst v0;
	v62 =	vsel vm13, v52, v60;
	v5 =	vsel vm12, v39, v6;
	v3 =	vsel vm11, v59, v21  }
0x1a6: {  	[tilespmem:$0x11D0] =	vst v2;
	vm15 =	vgt.f32 v54, v62;
	v1 =	vsel vm14, v42, v5;
	v63 =	vsel vm13, v55, v3  }
0x1a7: {  	p0 =	sne.s32 s12, $0x1;
	[tilespmem:$0x11E0] =	vst v1;
	v0 =	vsel vm15, v58, v63  }
.Ltmp0:
0x1a8: {  	[tilespmem:$0x11F0] =	vst v0;
	(pc) =	sbr.rel @p0 .LBB2_1-.Ltmp0, $4  }
0x1a9: {  	[hbm4b:s11+s2] =	stream.linear.scatter [tilespmem:s21], [sflag:$0x1], $0x200, $0x38;
	[tilespmem:$0x1200] =	vst v63  }
0x1aa: {  	_ =	swait.ge [sflag:s13], $0x200  }
0x1ab: {  	[sflag:s13] =	ssyncset.done $0x0  }
0x1ac: {  	s12 =	sadd.s32 $0xFFFFFFFF, s12;
	[sflag:s13] =	ssyncadd.s32 $0xFFFFFE00  }
0x1ad: {  	_ =	sfence.sel $0x180000  }
0x1ae: {  	[bflag:$0x0] =	sbarrier.arrive $0xFFFF  }
0x1af: {  	p0 =	sne.s32 s1, $0x0;
	_ =	strace $0x90000047  }
0x1b0: {  	s0 =	sadd.s32 @!p0 $0x100000, s0;
	[bflag:$0x2] =	sbarrier.arrive $0xFFFF  }
0x1b1: {  	[sflag:s0] =	ssyncadd.tile.s32 @!p0 $0x1;
	_ =	shalt  }
.Lfunc_end2:
_tile_overlayer_lowered:
.L_overlay_start_2:
0x1b2: {  	(tag) =	ssettag $0x2  }
0x1b3: {  	s0 =	rddreg [dreg:$0x0];
	s2 =	stileid.u32  }
0x1b4: {  	s1 =	rddreg [dreg:$0x1];
	p0 =	sne.s32 s2, $0x0  }
0x1b5: {  	s3 =	rddreg [dreg:$0x2];
	[bflag:$0x3] =	sbarrier.arrive $0xFFFF;
	s2 =	simm.s32 @!p0 $0x1C01  }
0x1b6: {  	[timem:s3], [sflag:s2] =	dma.local @!p0 [hbm:s0], s1  }
0x1b7: {  	s0 =	simm.s32 @!p0 $0x1  }
0x1b8: {  	_ =	swait.ge @!p0 [sflag:s0], s1  }
0x1b9: {  	s1 =	ssub.s32 @!p0 $0x0, s1;
	[sflag:s0] =	ssyncset.done @!p0 $0x0  }
0x1ba: {  	[sflag:s0] =	ssyncadd.s32 @!p0 s1  }
0x1bb: {  	[bflag:$0x3] =	sbarrier.arrive $0xFFFF  }
0x1bc: {  	_ =	shalt  }

</sc_bundles>
